<compile_context>
chip_gen: v7x
topology: tpu7x:2x2x1
jax: 0.10.2.dev20260603
libtpu: 0.0.44.dev20260713+nightly
codegen_flags: <defaults>
</compile_context>

<pallas_src>
import functools

import jax
import jax.numpy as jnp
import numpy as np
from jax import lax
from jax.experimental import pallas as pl
from jax.experimental.pallas import tpu as pltpu
from jax.experimental.pallas import tpu_sc as plsc

B = 64
MAXLEN = 2048
D_MODEL = 768
VOCAB = 5

NC = 2
NS = 16
LANES = 16
NW = NC * NS

TOKENS = B * MAXLEN
T_PER_W = TOKENS // NW
CHUNK = 32
N_CHUNKS = T_PER_W // CHUNK


def _pe_scaled() -> np.ndarray:
    pos = np.arange(MAXLEN)[:, np.newaxis]
    i = np.arange(D_MODEL)[np.newaxis, :]
    angle_rates = 1.0 / np.power(10000, 2 * (i // 2) / np.float32(D_MODEL))
    angle_rads = pos * angle_rates
    angle_rads[:, 0::2] = np.sin(angle_rads[:, 0::2])
    angle_rads[:, 1::2] = np.cos(angle_rads[:, 1::2])
    return (angle_rads / np.sqrt(np.float32(D_MODEL))).astype(np.float32)


_PE_SCALED = _pe_scaled()


def _fuse_body(table_ref, pe_ref, out_ref):
    out_ref[...] = table_ref[...][:, None, :] + pe_ref[...][None, :, :]


_L_BLK = 256


def _build_fused(table):
    pe = jnp.asarray(_PE_SCALED)
    return pl.pallas_call(
        _fuse_body,
        grid=(MAXLEN // _L_BLK,),
        in_specs=[
            pl.BlockSpec((VOCAB, D_MODEL), lambda i: (0, 0)),
            pl.BlockSpec((_L_BLK, D_MODEL), lambda i: (i, 0)),
        ],
        out_specs=pl.BlockSpec((VOCAB, _L_BLK, D_MODEL), lambda i: (0, i, 0)),
        out_shape=jax.ShapeDtypeStruct((VOCAB, MAXLEN, D_MODEL), jnp.float32),
    )(table, pe)


@functools.partial(
    pl.kernel,
    out_type=jax.ShapeDtypeStruct((TOKENS, D_MODEL), jnp.float32),
    mesh=plsc.VectorSubcoreMesh(core_axis_name="c", subcore_axis_name="s"),
    scratch_types=[
        pltpu.VMEM((T_PER_W,), jnp.int32),
        pltpu.VMEM((CHUNK, D_MODEL), jnp.float32),
        pltpu.VMEM((CHUNK, D_MODEL), jnp.float32),
        pltpu.VMEM((CHUNK, D_MODEL), jnp.float32),
        pltpu.VMEM((CHUNK, D_MODEL), jnp.float32),
        pltpu.SemaphoreType.DMA,
        pltpu.SemaphoreType.DMA,
        pltpu.SemaphoreType.DMA,
        pltpu.SemaphoreType.DMA,
        pltpu.SemaphoreType.DMA,
        pltpu.SemaphoreType.DMA,
        pltpu.SemaphoreType.DMA,
        pltpu.SemaphoreType.DMA,
    ],
)
def _sc_gather(tok_hbm, fused_hbm, out_hbm, idx_all,
               rows0, rows1, rows2, rows3,
               gsem0, gsem1, gsem2, gsem3, osem0, osem1, osem2, osem3):
    wid = lax.axis_index("s") * NC + lax.axis_index("c")
    base = wid * T_PER_W

    pltpu.sync_copy(tok_hbm.at[pl.ds(base, T_PER_W)], idx_all)

    def to_idx(r, carry):
        sl = pl.ds(r * LANES, LANES)
        tok16 = idx_all[sl]
        t16 = (base + r * LANES) + lax.iota(jnp.int32, LANES)
        idx_all[sl] = (tok16 << 11) | (t16 & (MAXLEN - 1))
        return carry

    lax.fori_loop(0, T_PER_W // LANES, to_idx, 0)

    def fire_gather(c, rows_v, sem):
        pltpu.async_copy(
            fused_hbm.at[idx_all.at[pl.ds(c * CHUNK, CHUNK)]], rows_v, sem)

    def wait_gather(c, rows_v, sem):
        pltpu.make_async_copy(
            fused_hbm.at[idx_all.at[pl.ds(c * CHUNK, CHUNK)]], rows_v, sem).wait()

    def fire_out(c, rows_v, sem):
        pltpu.async_copy(rows_v, out_hbm.at[pl.ds(base + c * CHUNK, CHUNK)], sem)

    def wait_out(c, rows_v, sem):
        pltpu.make_async_copy(
            rows_v, out_hbm.at[pl.ds(base + c * CHUNK, CHUNK)], sem).wait()

    rows = (rows0, rows1, rows2, rows3)
    gsem = (gsem0, gsem1, gsem2, gsem3)
    osem = (osem0, osem1, osem2, osem3)

    fire_gather(0, rows[0], gsem[0])
    fire_gather(1, rows[1], gsem[1])

    def quad(q, carry):
        for j in range(4):
            c = 4 * q + j
            wait_gather(c, rows[j], gsem[j])

            @pl.when(c >= 2)
            def _():
                wait_out(c - 2, rows[(j + 2) % 4], osem[(j + 2) % 4])

            @pl.when(c + 2 < N_CHUNKS)
            def _():
                fire_gather(c + 2, rows[(j + 2) % 4], gsem[(j + 2) % 4])

            fire_out(c, rows[j], osem[j])
        return carry

    lax.fori_loop(0, N_CHUNKS // 4, quad, 0)
    wait_out(N_CHUNKS - 2, rows[2], osem[2])
    wait_out(N_CHUNKS - 1, rows[3], osem[3])


@jax.jit
def kernel(rnatok, table):
    fused = _build_fused(table)
    fused2d = fused.reshape(VOCAB * MAXLEN, D_MODEL)
    tok_flat = rnatok.reshape(TOKENS)
    out = _sc_gather(tok_flat, fused2d)
    return out.reshape(B, MAXLEN, D_MODEL)

# --- scband reference (transcript-rebuilt; emitter-appended) ---
"""Pipeline reference for scband-embedders-6751688590030 (READ-ONLY COPY).

The authoritative reference and input builder live on the scoring server;
editing this copy changes nothing except your own understanding.
"""

import jax, jax.numpy as jnp
import numpy as np

B = 64
MAXLEN = 2048
D_MODEL = 768
VOCAB = 5  # vocab_size(4) + 1 for mask_zero padding token


def _positional_encoding(position, d_model):
    pos = np.arange(position)[:, np.newaxis]
    i = np.arange(d_model)[np.newaxis, :]
    angle_rates = 1.0 / np.power(10000, 2 * (i // 2) / np.float32(d_model))
    angle_rads = pos * angle_rates
    angle_rads[:, 0::2] = np.sin(angle_rads[:, 0::2])
    angle_rads[:, 1::2] = np.cos(angle_rads[:, 1::2])
    pe = angle_rads[np.newaxis, ...]  # [1, position, d_model]
    return jnp.asarray(pe, dtype=jnp.float32)


def setup_inputs(seed: int = 0) -> dict:
    key = jax.random.key(seed)
    k1, k2 = jax.random.split(key)
    # RNA token ids in [0, 5); 0 is the padding/mask token
    rnatok = jax.random.randint(k1, (B, MAXLEN), 0, VOCAB, dtype=jnp.int32)
    # Keras Embedding default initializer: uniform(-0.05, 0.05)
    table = jax.random.uniform(k2, (VOCAB, D_MODEL), minval=-0.05, maxval=0.05, dtype=jnp.float32)
    return {"rnatok": rnatok, "table": table}


def reference(rnatok, table):
    # RNA path (one_when_rna == 1), inference mode (dropout is identity)
    d_model = jnp.float32(D_MODEL)
    pe = _positional_encoding(MAXLEN, D_MODEL)  # [1, MAXLEN, D]
    x = jnp.take(table, rnatok, axis=0)  # embedding gather -> [B, L, D]
    x = x * jnp.sqrt(d_model)
    # x += pos_encoding[:maxlen, :] ; pe has leading batch dim of 1, broadcasts over B
    x = x + pe
    # dropout(training=False) is identity
    x = x.astype(jnp.float32)
    x = x * jnp.sqrt(d_model)
    x = x / d_model
    return x

if __name__ == "__main__":
    import jax
    _d = setup_inputs()
    print(jax.jit(kernel)(*tuple(_d.values())))

</pallas_src>

<mosaic_0001>
#map = affine_map<(d0, d1) -> (0)>
#map1 = affine_map<(d0, d1) -> (0, 0)>
module attributes {stable_mosaic.version = 14 : i64} {
  func.func @_sc_gather(%arg0: i32, %arg1: i32, %arg2: memref<131072xi32, #tpu.memory_space<hbm>>, %arg3: memref<10240x768xf32, #tpu.memory_space<hbm>>, %arg4: memref<131072x768xf32, #tpu.memory_space<hbm>>, %arg5: memref<4096xi32, #tpu.memory_space<vmem>>, %arg6: memref<32x768xf32, #tpu.memory_space<vmem>>, %arg7: memref<32x768xf32, #tpu.memory_space<vmem>>, %arg8: memref<32x768xf32, #tpu.memory_space<vmem>>, %arg9: memref<32x768xf32, #tpu.memory_space<vmem>>, %arg10: memref<!tpu.dma_semaphore, #tpu.memory_space<semaphore_mem>>, %arg11: memref<!tpu.dma_semaphore, #tpu.memory_space<semaphore_mem>>, %arg12: memref<!tpu.dma_semaphore, #tpu.memory_space<semaphore_mem>>, %arg13: memref<!tpu.dma_semaphore, #tpu.memory_space<semaphore_mem>>, %arg14: memref<!tpu.dma_semaphore, #tpu.memory_space<semaphore_mem>>, %arg15: memref<!tpu.dma_semaphore, #tpu.memory_space<semaphore_mem>>, %arg16: memref<!tpu.dma_semaphore, #tpu.memory_space<semaphore_mem>>, %arg17: memref<!tpu.dma_semaphore, #tpu.memory_space<semaphore_mem>>) attributes {dimension_semantics = [#tpu.dimension_semantics<core_parallel>, #tpu.dimension_semantics<subcore_parallel>], iteration_bounds = array<i64: 2, 16>, scalar_prefetch = 0 : i64, scratch_operands = 13 : i64, tpu.core_type = #tpu.core_type<sc_vector_subcore>, window_params = [{transform_indices = #map}, {transform_indices = #map1}, {transform_indices = #map1}]} {
    %mul3A = arith.constant 2 : i32
    %mul3A_0 = arith.muli %arg1, %mul3A : i32
    %add3A = arith.addi %mul3A_0, %arg0 : i32
    %mul3A_1 = arith.constant 4096 : i32
    %mul3A_2 = arith.muli %add3A, %mul3A_1 : i32
    "tpu.region"() ({
      %run_scoped3A = tpu.sem_alloc : memref<!tpu.dma_semaphore, #tpu.memory_space<semaphore_mem>>
      %dma_start3A_34 = tpu.memref_slice %arg2[%mul3A_2] : memref<131072xi32, #tpu.memory_space<hbm>> -> memref<4096xi32, #tpu.memory_space<hbm>>
      %dma_start3A_35 = tpu.memref_slice %arg2[%mul3A_2] : memref<131072xi32, #tpu.memory_space<hbm>> -> memref<4096xi32, #tpu.memory_space<hbm>>
      tpu.enqueue_dma source(%dma_start3A_35 : memref<4096xi32, #tpu.memory_space<hbm>>) target(%arg5 : memref<4096xi32, #tpu.memory_space<vmem>>) target_semaphore(%run_scoped3A : memref<!tpu.dma_semaphore, #tpu.memory_space<semaphore_mem>>)
      %dma_wait3A_36 = tpu.memref_slice %arg2[%mul3A_2] : memref<131072xi32, #tpu.memory_space<hbm>> -> memref<4096xi32, #tpu.memory_space<hbm>>
      %dma_wait3A_37 = tpu.memref_slice %arg2[%mul3A_2] : memref<131072xi32, #tpu.memory_space<hbm>> -> memref<4096xi32, #tpu.memory_space<hbm>>
      tpu.wait_dma2 semaphore(%run_scoped3A : memref<!tpu.dma_semaphore, #tpu.memory_space<semaphore_mem>>) src(%dma_wait3A_37 : memref<4096xi32, #tpu.memory_space<hbm>>) dst(%arg5 : memref<4096xi32, #tpu.memory_space<vmem>>)
      tpu.yield
    }) : () -> ()
    %scan3A = arith.constant 0 : i32
    %scan3A_3 = arith.constant 0 : i32
    %scan3A_4 = arith.constant 256 : i32
    %scan3A_5 = arith.addi %scan3A_3, %scan3A_4 : i32
    %scan3A_6 = arith.constant 1 : i32
    scf.for %scan3A_34 = %scan3A_3 to %scan3A_5 step %scan3A_6  : i32 {
      %mul3A_35 = arith.constant 16 : i32
      %mul3A_36 = arith.muli %scan3A_34, %mul3A_35 : i32
      %get3A = arith.index_cast %mul3A_36 : i32 to index
      %get3A_37 = tpu.vector_load %arg5[%get3A] {strides = array<i32>} : memref<4096xi32, #tpu.memory_space<vmem>>, vector<16xi32>,
      %get3A_38 = vector.shape_cast %get3A_37 : vector<16xi32> to vector<16xi32>
      %mul3A_39 = arith.constant 16 : i32
      %mul3A_40 = arith.muli %scan3A_34, %mul3A_39 : i32
      %add3A_41 = arith.addi %mul3A_2, %mul3A_40 : i32
      %iota3A = tpu.iota {dimensions = array<i32: 0>} : vector<16xi32>
      %add3A_42 = vector.broadcast %add3A_41 : i32 to vector<16xi32>
      %add3A_43 = arith.addi %add3A_42, %iota3A : vector<16xi32>
      %shift_left3A = arith.constant 11 : i32
      %shift_left3A_44 = vector.broadcast %shift_left3A : i32 to vector<16xi32>
      %shift_left3A_45 = arith.shli %get3A_38, %shift_left3A_44 : vector<16xi32>
      %and3A = arith.constant 2047 : i32
      %and3A_46 = vector.broadcast %and3A : i32 to vector<16xi32>
      %and3A_47 = arith.andi %add3A_43, %and3A_46 : vector<16xi32>
      %or3A = arith.ori %shift_left3A_45, %and3A_47 : vector<16xi32>
      %swap3A = arith.index_cast %mul3A_36 : i32 to index
      %swap3A_48 = tpu.vector_load %arg5[%swap3A] {strides = array<i32>} : memref<4096xi32, #tpu.memory_space<vmem>>, vector<16xi32>,
      %swap3A_49 = vector.shape_cast %swap3A_48 : vector<16xi32> to vector<16xi32>
      %swap3A_50 = vector.shape_cast %or3A : vector<16xi32> to vector<16xi32>
      tpu.vector_store %arg5[%swap3A], %swap3A_50 {strides = array<i32>} : memref<4096xi32, #tpu.memory_space<vmem>>, vector<16xi32>,
    }
    %scan3A_7 = arith.constant 256 : i32
    %dma_start3A = arith.constant 0 : i32
    %dma_start3A_8 = tpu.memref_slice %arg5[%dma_start3A] : memref<4096xi32, #tpu.memory_space<vmem>> -> memref<32xi32, #tpu.memory_space<vmem>>
    %dma_start3A_9 = arith.constant 0 : i32
    %dma_start3A_10 = arith.constant 0 : i32
    %dma_start3A_11 = tpu.memref_slice %arg3[%dma_start3A_9, %dma_start3A_10] : memref<10240x768xf32, #tpu.memory_space<hbm>> -> memref<10240x768xf32, #tpu.memory_space<hbm>>
    tpu.enqueue_indirect_dma source(%dma_start3A_11 : memref<10240x768xf32, #tpu.memory_space<hbm>>) target(%arg6 : memref<32x768xf32, #tpu.memory_space<vmem>>) offsets(%dma_start3A_8 : memref<32xi32, #tpu.memory_space<vmem>>) semaphore(%arg10 : memref<!tpu.dma_semaphore, #tpu.memory_space<semaphore_mem>>)
    %dma_start3A_12 = arith.constant 32 : i32
    %dma_start3A_13 = tpu.memref_slice %arg5[%dma_start3A_12] : memref<4096xi32, #tpu.memory_space<vmem>> -> memref<32xi32, #tpu.memory_space<vmem>>
    %dma_start3A_14 = arith.constant 0 : i32
    %dma_start3A_15 = arith.constant 0 : i32
    %dma_start3A_16 = tpu.memref_slice %arg3[%dma_start3A_14, %dma_start3A_15] : memref<10240x768xf32, #tpu.memory_space<hbm>> -> memref<10240x768xf32, #tpu.memory_space<hbm>>
    tpu.enqueue_indirect_dma source(%dma_start3A_16 : memref<10240x768xf32, #tpu.memory_space<hbm>>) target(%arg7 : memref<32x768xf32, #tpu.memory_space<vmem>>) offsets(%dma_start3A_13 : memref<32xi32, #tpu.memory_space<vmem>>) semaphore(%arg11 : memref<!tpu.dma_semaphore, #tpu.memory_space<semaphore_mem>>)
    %scan3A_17 = arith.constant 0 : i32
    %scan3A_18 = arith.constant 0 : i32
    %scan3A_19 = arith.constant 32 : i32
    %scan3A_20 = arith.addi %scan3A_18, %scan3A_19 : i32
    %scan3A_21 = arith.constant 1 : i32
    scf.for %scan3A_34 = %scan3A_18 to %scan3A_20 step %scan3A_21  : i32 {
      %mul3A_35 = arith.constant 4 : i32
      %mul3A_36 = arith.muli %mul3A_35, %scan3A_34 : i32
      %add3A_37 = arith.constant 0 : i32
      %add3A_38 = arith.addi %mul3A_36, %add3A_37 : i32
      %mul3A_39 = arith.constant 32 : i32
      %mul3A_40 = arith.muli %add3A_38, %mul3A_39 : i32
      %dma_wait3A_41 = tpu.memref_slice %arg5[%mul3A_40] : memref<4096xi32, #tpu.memory_space<vmem>> -> memref<32xi32, #tpu.memory_space<vmem>>
      %dma_wait3A_42 = arith.constant 0 : i32
      %dma_wait3A_43 = arith.constant 0 : i32
      %dma_wait3A_44 = tpu.memref_slice %arg3[%dma_wait3A_42, %dma_wait3A_43] : memref<10240x768xf32, #tpu.memory_space<hbm>> -> memref<10240x768xf32, #tpu.memory_space<hbm>>
      tpu.wait_indirect_dma semaphore(%arg10 : memref<!tpu.dma_semaphore, #tpu.memory_space<semaphore_mem>>) src(%dma_wait3A_44 : memref<10240x768xf32, #tpu.memory_space<hbm>>) dst(%arg6 : memref<32x768xf32, #tpu.memory_space<vmem>>)
      %ge3A = arith.constant 2 : i32
      %ge3A_45 = arith.cmpi sge, %add3A_38, %ge3A : i32
      %convert_element_type3A = arith.extui %ge3A_45 : i1 to i32
      %cond3A = arith.constant 0 : i32
      %cond3A_46 = arith.cmpi ne, %convert_element_type3A, %cond3A : i32
      scf.if %cond3A_46 {
        %sub3A = arith.constant 2 : i32
        %sub3A_147 = arith.subi %add3A_38, %sub3A : i32
        %mul3A_148 = arith.constant 32 : i32
        %mul3A_149 = arith.muli %sub3A_147, %mul3A_148 : i32
        %add3A_150 = arith.addi %mul3A_2, %mul3A_149 : i32
        %dma_wait3A_151 = arith.constant 0 : i32
        %dma_wait3A_152 = tpu.memref_slice %arg4[%add3A_150, %dma_wait3A_151] : memref<131072x768xf32, #tpu.memory_space<hbm>> -> memref<32x768xf32, #tpu.memory_space<hbm>>
        %dma_wait3A_153 = arith.constant 0 : i32
        %dma_wait3A_154 = tpu.memref_slice %arg4[%add3A_150, %dma_wait3A_153] : memref<131072x768xf32, #tpu.memory_space<hbm>> -> memref<32x768xf32, #tpu.memory_space<hbm>>
        tpu.wait_dma2 semaphore(%arg16 : memref<!tpu.dma_semaphore, #tpu.memory_space<semaphore_mem>>) src(%arg8 : memref<32x768xf32, #tpu.memory_space<vmem>>) dst(%dma_wait3A_154 : memref<32x768xf32, #tpu.memory_space<hbm>>)
      } else {
      }
      %add3A_47 = arith.constant 2 : i32
      %add3A_48 = arith.addi %add3A_38, %add3A_47 : i32
      %lt3A = arith.constant 128 : i32
      %lt3A_49 = arith.cmpi slt, %add3A_48, %lt3A : i32
      %convert_element_type3A_50 = arith.extui %lt3A_49 : i1 to i32
      %cond3A_51 = arith.constant 0 : i32
      %cond3A_52 = arith.cmpi ne, %convert_element_type3A_50, %cond3A_51 : i32
      scf.if %cond3A_52 {
        %add3A_147 = arith.constant 2 : i32
        %add3A_148 = arith.addi %add3A_38, %add3A_147 : i32
        %mul3A_149 = arith.constant 32 : i32
        %mul3A_150 = arith.muli %add3A_148, %mul3A_149 : i32
        %dma_start3A_151 = tpu.memref_slice %arg5[%mul3A_150] : memref<4096xi32, #tpu.memory_space<vmem>> -> memref<32xi32, #tpu.memory_space<vmem>>
        %dma_start3A_152 = arith.constant 0 : i32
        %dma_start3A_153 = arith.constant 0 : i32
        %dma_start3A_154 = tpu.memref_slice %arg3[%dma_start3A_152, %dma_start3A_153] : memref<10240x768xf32, #tpu.memory_space<hbm>> -> memref<10240x768xf32, #tpu.memory_space<hbm>>
        tpu.enqueue_indirect_dma source(%dma_start3A_154 : memref<10240x768xf32, #tpu.memory_space<hbm>>) target(%arg8 : memref<32x768xf32, #tpu.memory_space<vmem>>) offsets(%dma_start3A_151 : memref<32xi32, #tpu.memory_space<vmem>>) semaphore(%arg12 : memref<!tpu.dma_semaphore, #tpu.memory_space<semaphore_mem>>)
      } else {
      }
      %mul3A_53 = arith.constant 32 : i32
      %mul3A_54 = arith.muli %add3A_38, %mul3A_53 : i32
      %add3A_55 = arith.addi %mul3A_2, %mul3A_54 : i32
      %dma_start3A_56 = arith.constant 0 : i32
      %dma_start3A_57 = tpu.memref_slice %arg4[%add3A_55, %dma_start3A_56] : memref<131072x768xf32, #tpu.memory_space<hbm>> -> memref<32x768xf32, #tpu.memory_space<hbm>>
      %dma_start3A_58 = arith.constant 0 : i32
      %dma_start3A_59 = tpu.memref_slice %arg4[%add3A_55, %dma_start3A_58] : memref<131072x768xf32, #tpu.memory_space<hbm>> -> memref<32x768xf32, #tpu.memory_space<hbm>>
      tpu.enqueue_dma source(%arg6 : memref<32x768xf32, #tpu.memory_space<vmem>>) target(%dma_start3A_59 : memref<32x768xf32, #tpu.memory_space<hbm>>) target_semaphore(%arg14 : memref<!tpu.dma_semaphore, #tpu.memory_space<semaphore_mem>>)
      %mul3A_60 = arith.constant 4 : i32
      %mul3A_61 = arith.muli %mul3A_60, %scan3A_34 : i32
      %add3A_62 = arith.constant 1 : i32
      %add3A_63 = arith.addi %mul3A_61, %add3A_62 : i32
      %mul3A_64 = arith.constant 32 : i32
      %mul3A_65 = arith.muli %add3A_63, %mul3A_64 : i32
      %dma_wait3A_66 = tpu.memref_slice %arg5[%mul3A_65] : memref<4096xi32, #tpu.memory_space<vmem>> -> memref<32xi32, #tpu.memory_space<vmem>>
      %dma_wait3A_67 = arith.constant 0 : i32
      %dma_wait3A_68 = arith.constant 0 : i32
      %dma_wait3A_69 = tpu.memref_slice %arg3[%dma_wait3A_67, %dma_wait3A_68] : memref<10240x768xf32, #tpu.memory_space<hbm>> -> memref<10240x768xf32, #tpu.memory_space<hbm>>
      tpu.wait_indirect_dma semaphore(%arg11 : memref<!tpu.dma_semaphore, #tpu.memory_space<semaphore_mem>>) src(%dma_wait3A_69 : memref<10240x768xf32, #tpu.memory_space<hbm>>) dst(%arg7 : memref<32x768xf32, #tpu.memory_space<vmem>>)
      %ge3A_70 = arith.constant 2 : i32
      %ge3A_71 = arith.cmpi sge, %add3A_63, %ge3A_70 : i32
      %convert_element_type3A_72 = arith.extui %ge3A_71 : i1 to i32
      %cond3A_73 = arith.constant 0 : i32
      %cond3A_74 = arith.cmpi ne, %convert_element_type3A_72, %cond3A_73 : i32
      scf.if %cond3A_74 {
        %sub3A = arith.constant 2 : i32
        %sub3A_147 = arith.subi %add3A_63, %sub3A : i32
        %mul3A_148 = arith.constant 32 : i32
        %mul3A_149 = arith.muli %sub3A_147, %mul3A_148 : i32
        %add3A_150 = arith.addi %mul3A_2, %mul3A_149 : i32
        %dma_wait3A_151 = arith.constant 0 : i32
        %dma_wait3A_152 = tpu.memref_slice %arg4[%add3A_150, %dma_wait3A_151] : memref<131072x768xf32, #tpu.memory_space<hbm>> -> memref<32x768xf32, #tpu.memory_space<hbm>>
        %dma_wait3A_153 = arith.constant 0 : i32
        %dma_wait3A_154 = tpu.memref_slice %arg4[%add3A_150, %dma_wait3A_153] : memref<131072x768xf32, #tpu.memory_space<hbm>> -> memref<32x768xf32, #tpu.memory_space<hbm>>
        tpu.wait_dma2 semaphore(%arg17 : memref<!tpu.dma_semaphore, #tpu.memory_space<semaphore_mem>>) src(%arg9 : memref<32x768xf32, #tpu.memory_space<vmem>>) dst(%dma_wait3A_154 : memref<32x768xf32, #tpu.memory_space<hbm>>)
      } else {
      }
      %add3A_75 = arith.constant 2 : i32
      %add3A_76 = arith.addi %add3A_63, %add3A_75 : i32
      %lt3A_77 = arith.constant 128 : i32
      %lt3A_78 = arith.cmpi slt, %add3A_76, %lt3A_77 : i32
      %convert_element_type3A_79 = arith.extui %lt3A_78 : i1 to i32
      %cond3A_80 = arith.constant 0 : i32
      %cond3A_81 = arith.cmpi ne, %convert_element_type3A_79, %cond3A_80 : i32
      scf.if %cond3A_81 {
        %add3A_147 = arith.constant 2 : i32
        %add3A_148 = arith.addi %add3A_63, %add3A_147 : i32
        %mul3A_149 = arith.constant 32 : i32
        %mul3A_150 = arith.muli %add3A_148, %mul3A_149 : i32
        %dma_start3A_151 = tpu.memref_slice %arg5[%mul3A_150] : memref<4096xi32, #tpu.memory_space<vmem>> -> memref<32xi32, #tpu.memory_space<vmem>>
        %dma_start3A_152 = arith.constant 0 : i32
        %dma_start3A_153 = arith.constant 0 : i32
        %dma_start3A_154 = tpu.memref_slice %arg3[%dma_start3A_152, %dma_start3A_153] : memref<10240x768xf32, #tpu.memory_space<hbm>> -> memref<10240x768xf32, #tpu.memory_space<hbm>>
        tpu.enqueue_indirect_dma source(%dma_start3A_154 : memref<10240x768xf32, #tpu.memory_space<hbm>>) target(%arg9 : memref<32x768xf32, #tpu.memory_space<vmem>>) offsets(%dma_start3A_151 : memref<32xi32, #tpu.memory_space<vmem>>) semaphore(%arg13 : memref<!tpu.dma_semaphore, #tpu.memory_space<semaphore_mem>>)
      } else {
      }
      %mul3A_82 = arith.constant 32 : i32
      %mul3A_83 = arith.muli %add3A_63, %mul3A_82 : i32
      %add3A_84 = arith.addi %mul3A_2, %mul3A_83 : i32
      %dma_start3A_85 = arith.constant 0 : i32
      %dma_start3A_86 = tpu.memref_slice %arg4[%add3A_84, %dma_start3A_85] : memref<131072x768xf32, #tpu.memory_space<hbm>> -> memref<32x768xf32, #tpu.memory_space<hbm>>
      %dma_start3A_87 = arith.constant 0 : i32
      %dma_start3A_88 = tpu.memref_slice %arg4[%add3A_84, %dma_start3A_87] : memref<131072x768xf32, #tpu.memory_space<hbm>> -> memref<32x768xf32, #tpu.memory_space<hbm>>
      tpu.enqueue_dma source(%arg7 : memref<32x768xf32, #tpu.memory_space<vmem>>) target(%dma_start3A_88 : memref<32x768xf32, #tpu.memory_space<hbm>>) target_semaphore(%arg15 : memref<!tpu.dma_semaphore, #tpu.memory_space<semaphore_mem>>)
      %mul3A_89 = arith.constant 4 : i32
      %mul3A_90 = arith.muli %mul3A_89, %scan3A_34 : i32
      %add3A_91 = arith.constant 2 : i32
      %add3A_92 = arith.addi %mul3A_90, %add3A_91 : i32
      %mul3A_93 = arith.constant 32 : i32
      %mul3A_94 = arith.muli %add3A_92, %mul3A_93 : i32
      %dma_wait3A_95 = tpu.memref_slice %arg5[%mul3A_94] : memref<4096xi32, #tpu.memory_space<vmem>> -> memref<32xi32, #tpu.memory_space<vmem>>
      %dma_wait3A_96 = arith.constant 0 : i32
      %dma_wait3A_97 = arith.constant 0 : i32
      %dma_wait3A_98 = tpu.memref_slice %arg3[%dma_wait3A_96, %dma_wait3A_97] : memref<10240x768xf32, #tpu.memory_space<hbm>> -> memref<10240x768xf32, #tpu.memory_space<hbm>>
      tpu.wait_indirect_dma semaphore(%arg12 : memref<!tpu.dma_semaphore, #tpu.memory_space<semaphore_mem>>) src(%dma_wait3A_98 : memref<10240x768xf32, #tpu.memory_space<hbm>>) dst(%arg8 : memref<32x768xf32, #tpu.memory_space<vmem>>)
      %ge3A_99 = arith.constant 2 : i32
      %ge3A_100 = arith.cmpi sge, %add3A_92, %ge3A_99 : i32
      %convert_element_type3A_101 = arith.extui %ge3A_100 : i1 to i32
      %cond3A_102 = arith.constant 0 : i32
      %cond3A_103 = arith.cmpi ne, %convert_element_type3A_101, %cond3A_102 : i32
      scf.if %cond3A_103 {
        %sub3A = arith.constant 2 : i32
        %sub3A_147 = arith.subi %add3A_92, %sub3A : i32
        %mul3A_148 = arith.constant 32 : i32
        %mul3A_149 = arith.muli %sub3A_147, %mul3A_148 : i32
        %add3A_150 = arith.addi %mul3A_2, %mul3A_149 : i32
        %dma_wait3A_151 = arith.constant 0 : i32
        %dma_wait3A_152 = tpu.memref_slice %arg4[%add3A_150, %dma_wait3A_151] : memref<131072x768xf32, #tpu.memory_space<hbm>> -> memref<32x768xf32, #tpu.memory_space<hbm>>
        %dma_wait3A_153 = arith.constant 0 : i32
        %dma_wait3A_154 = tpu.memref_slice %arg4[%add3A_150, %dma_wait3A_153] : memref<131072x768xf32, #tpu.memory_space<hbm>> -> memref<32x768xf32, #tpu.memory_space<hbm>>
        tpu.wait_dma2 semaphore(%arg14 : memref<!tpu.dma_semaphore, #tpu.memory_space<semaphore_mem>>) src(%arg6 : memref<32x768xf32, #tpu.memory_space<vmem>>) dst(%dma_wait3A_154 : memref<32x768xf32, #tpu.memory_space<hbm>>)
      } else {
      }
      %add3A_104 = arith.constant 2 : i32
      %add3A_105 = arith.addi %add3A_92, %add3A_104 : i32
      %lt3A_106 = arith.constant 128 : i32
      %lt3A_107 = arith.cmpi slt, %add3A_105, %lt3A_106 : i32
      %convert_element_type3A_108 = arith.extui %lt3A_107 : i1 to i32
      %cond3A_109 = arith.constant 0 : i32
      %cond3A_110 = arith.cmpi ne, %convert_element_type3A_108, %cond3A_109 : i32
      scf.if %cond3A_110 {
        %add3A_147 = arith.constant 2 : i32
        %add3A_148 = arith.addi %add3A_92, %add3A_147 : i32
        %mul3A_149 = arith.constant 32 : i32
        %mul3A_150 = arith.muli %add3A_148, %mul3A_149 : i32
        %dma_start3A_151 = tpu.memref_slice %arg5[%mul3A_150] : memref<4096xi32, #tpu.memory_space<vmem>> -> memref<32xi32, #tpu.memory_space<vmem>>
        %dma_start3A_152 = arith.constant 0 : i32
        %dma_start3A_153 = arith.constant 0 : i32
        %dma_start3A_154 = tpu.memref_slice %arg3[%dma_start3A_152, %dma_start3A_153] : memref<10240x768xf32, #tpu.memory_space<hbm>> -> memref<10240x768xf32, #tpu.memory_space<hbm>>
        tpu.enqueue_indirect_dma source(%dma_start3A_154 : memref<10240x768xf32, #tpu.memory_space<hbm>>) target(%arg6 : memref<32x768xf32, #tpu.memory_space<vmem>>) offsets(%dma_start3A_151 : memref<32xi32, #tpu.memory_space<vmem>>) semaphore(%arg10 : memref<!tpu.dma_semaphore, #tpu.memory_space<semaphore_mem>>)
      } else {
      }
      %mul3A_111 = arith.constant 32 : i32
      %mul3A_112 = arith.muli %add3A_92, %mul3A_111 : i32
      %add3A_113 = arith.addi %mul3A_2, %mul3A_112 : i32
      %dma_start3A_114 = arith.constant 0 : i32
      %dma_start3A_115 = tpu.memref_slice %arg4[%add3A_113, %dma_start3A_114] : memref<131072x768xf32, #tpu.memory_space<hbm>> -> memref<32x768xf32, #tpu.memory_space<hbm>>
      %dma_start3A_116 = arith.constant 0 : i32
      %dma_start3A_117 = tpu.memref_slice %arg4[%add3A_113, %dma_start3A_116] : memref<131072x768xf32, #tpu.memory_space<hbm>> -> memref<32x768xf32, #tpu.memory_space<hbm>>
      tpu.enqueue_dma source(%arg8 : memref<32x768xf32, #tpu.memory_space<vmem>>) target(%dma_start3A_117 : memref<32x768xf32, #tpu.memory_space<hbm>>) target_semaphore(%arg16 : memref<!tpu.dma_semaphore, #tpu.memory_space<semaphore_mem>>)
      %mul3A_118 = arith.constant 4 : i32
      %mul3A_119 = arith.muli %mul3A_118, %scan3A_34 : i32
      %add3A_120 = arith.constant 3 : i32
      %add3A_121 = arith.addi %mul3A_119, %add3A_120 : i32
      %mul3A_122 = arith.constant 32 : i32
      %mul3A_123 = arith.muli %add3A_121, %mul3A_122 : i32
      %dma_wait3A_124 = tpu.memref_slice %arg5[%mul3A_123] : memref<4096xi32, #tpu.memory_space<vmem>> -> memref<32xi32, #tpu.memory_space<vmem>>
      %dma_wait3A_125 = arith.constant 0 : i32
      %dma_wait3A_126 = arith.constant 0 : i32
      %dma_wait3A_127 = tpu.memref_slice %arg3[%dma_wait3A_125, %dma_wait3A_126] : memref<10240x768xf32, #tpu.memory_space<hbm>> -> memref<10240x768xf32, #tpu.memory_space<hbm>>
      tpu.wait_indirect_dma semaphore(%arg13 : memref<!tpu.dma_semaphore, #tpu.memory_space<semaphore_mem>>) src(%dma_wait3A_127 : memref<10240x768xf32, #tpu.memory_space<hbm>>) dst(%arg9 : memref<32x768xf32, #tpu.memory_space<vmem>>)
      %ge3A_128 = arith.constant 2 : i32
      %ge3A_129 = arith.cmpi sge, %add3A_121, %ge3A_128 : i32
      %convert_element_type3A_130 = arith.extui %ge3A_129 : i1 to i32
      %cond3A_131 = arith.constant 0 : i32
      %cond3A_132 = arith.cmpi ne, %convert_element_type3A_130, %cond3A_131 : i32
      scf.if %cond3A_132 {
        %sub3A = arith.constant 2 : i32
        %sub3A_147 = arith.subi %add3A_121, %sub3A : i32
        %mul3A_148 = arith.constant 32 : i32
        %mul3A_149 = arith.muli %sub3A_147, %mul3A_148 : i32
        %add3A_150 = arith.addi %mul3A_2, %mul3A_149 : i32
        %dma_wait3A_151 = arith.constant 0 : i32
        %dma_wait3A_152 = tpu.memref_slice %arg4[%add3A_150, %dma_wait3A_151] : memref<131072x768xf32, #tpu.memory_space<hbm>> -> memref<32x768xf32, #tpu.memory_space<hbm>>
        %dma_wait3A_153 = arith.constant 0 : i32
        %dma_wait3A_154 = tpu.memref_slice %arg4[%add3A_150, %dma_wait3A_153] : memref<131072x768xf32, #tpu.memory_space<hbm>> -> memref<32x768xf32, #tpu.memory_space<hbm>>
        tpu.wait_dma2 semaphore(%arg15 : memref<!tpu.dma_semaphore, #tpu.memory_space<semaphore_mem>>) src(%arg7 : memref<32x768xf32, #tpu.memory_space<vmem>>) dst(%dma_wait3A_154 : memref<32x768xf32, #tpu.memory_space<hbm>>)
      } else {
      }
      %add3A_133 = arith.constant 2 : i32
      %add3A_134 = arith.addi %add3A_121, %add3A_133 : i32
      %lt3A_135 = arith.constant 128 : i32
      %lt3A_136 = arith.cmpi slt, %add3A_134, %lt3A_135 : i32
      %convert_element_type3A_137 = arith.extui %lt3A_136 : i1 to i32
      %cond3A_138 = arith.constant 0 : i32
      %cond3A_139 = arith.cmpi ne, %convert_element_type3A_137, %cond3A_138 : i32
      scf.if %cond3A_139 {
        %add3A_147 = arith.constant 2 : i32
        %add3A_148 = arith.addi %add3A_121, %add3A_147 : i32
        %mul3A_149 = arith.constant 32 : i32
        %mul3A_150 = arith.muli %add3A_148, %mul3A_149 : i32
        %dma_start3A_151 = tpu.memref_slice %arg5[%mul3A_150] : memref<4096xi32, #tpu.memory_space<vmem>> -> memref<32xi32, #tpu.memory_space<vmem>>
        %dma_start3A_152 = arith.constant 0 : i32
        %dma_start3A_153 = arith.constant 0 : i32
        %dma_start3A_154 = tpu.memref_slice %arg3[%dma_start3A_152, %dma_start3A_153] : memref<10240x768xf32, #tpu.memory_space<hbm>> -> memref<10240x768xf32, #tpu.memory_space<hbm>>
        tpu.enqueue_indirect_dma source(%dma_start3A_154 : memref<10240x768xf32, #tpu.memory_space<hbm>>) target(%arg7 : memref<32x768xf32, #tpu.memory_space<vmem>>) offsets(%dma_start3A_151 : memref<32xi32, #tpu.memory_space<vmem>>) semaphore(%arg11 : memref<!tpu.dma_semaphore, #tpu.memory_space<semaphore_mem>>)
      } else {
      }
      %mul3A_140 = arith.constant 32 : i32
      %mul3A_141 = arith.muli %add3A_121, %mul3A_140 : i32
      %add3A_142 = arith.addi %mul3A_2, %mul3A_141 : i32
      %dma_start3A_143 = arith.constant 0 : i32
      %dma_start3A_144 = tpu.memref_slice %arg4[%add3A_142, %dma_start3A_143] : memref<131072x768xf32, #tpu.memory_space<hbm>> -> memref<32x768xf32, #tpu.memory_space<hbm>>
      %dma_start3A_145 = arith.constant 0 : i32
      %dma_start3A_146 = tpu.memref_slice %arg4[%add3A_142, %dma_start3A_145] : memref<131072x768xf32, #tpu.memory_space<hbm>> -> memref<32x768xf32, #tpu.memory_space<hbm>>
      tpu.enqueue_dma source(%arg9 : memref<32x768xf32, #tpu.memory_space<vmem>>) target(%dma_start3A_146 : memref<32x768xf32, #tpu.memory_space<hbm>>) target_semaphore(%arg17 : memref<!tpu.dma_semaphore, #tpu.memory_space<semaphore_mem>>)
    }
    %scan3A_22 = arith.constant 32 : i32
    %add3A_23 = arith.constant 4032 : i32
    %add3A_24 = arith.addi %mul3A_2, %add3A_23 : i32
    %dma_wait3A = arith.constant 0 : i32
    %dma_wait3A_25 = tpu.memref_slice %arg4[%add3A_24, %dma_wait3A] : memref<131072x768xf32, #tpu.memory_space<hbm>> -> memref<32x768xf32, #tpu.memory_space<hbm>>
    %dma_wait3A_26 = arith.constant 0 : i32
    %dma_wait3A_27 = tpu.memref_slice %arg4[%add3A_24, %dma_wait3A_26] : memref<131072x768xf32, #tpu.memory_space<hbm>> -> memref<32x768xf32, #tpu.memory_space<hbm>>
    tpu.wait_dma2 semaphore(%arg16 : memref<!tpu.dma_semaphore, #tpu.memory_space<semaphore_mem>>) src(%arg8 : memref<32x768xf32, #tpu.memory_space<vmem>>) dst(%dma_wait3A_27 : memref<32x768xf32, #tpu.memory_space<hbm>>)
    %add3A_28 = arith.constant 4064 : i32
    %add3A_29 = arith.addi %mul3A_2, %add3A_28 : i32
    %dma_wait3A_30 = arith.constant 0 : i32
    %dma_wait3A_31 = tpu.memref_slice %arg4[%add3A_29, %dma_wait3A_30] : memref<131072x768xf32, #tpu.memory_space<hbm>> -> memref<32x768xf32, #tpu.memory_space<hbm>>
    %dma_wait3A_32 = arith.constant 0 : i32
    %dma_wait3A_33 = tpu.memref_slice %arg4[%add3A_29, %dma_wait3A_32] : memref<131072x768xf32, #tpu.memory_space<hbm>> -> memref<32x768xf32, #tpu.memory_space<hbm>>
    tpu.wait_dma2 semaphore(%arg17 : memref<!tpu.dma_semaphore, #tpu.memory_space<semaphore_mem>>) src(%arg9 : memref<32x768xf32, #tpu.memory_space<vmem>>) dst(%dma_wait3A_33 : memref<32x768xf32, #tpu.memory_space<hbm>>)
    return
  }
}

module attributes {stable_mosaic.version = 14 : i64} {
  func.func @_fuse_body(%arg0: i32, %arg1: memref<5x768xf32, #tpu.memory_space<vmem>>, %arg2: memref<256x768xf32, #tpu.memory_space<vmem>>, %arg3: memref<5x256x768xf32, #tpu.memory_space<vmem>>) attributes {dimension_semantics = [#tpu.dimension_semantics<arbitrary>], iteration_bounds = array<i64: 8>, scalar_prefetch = 0 : i64, scratch_operands = 0 : i64, tpu.core_type = #tpu.core_type<tc>, window_params = [{pipeline_mode = #tpu.pipeline_mode<synchronous>, transform_indices = @transform_0, window_bounds = array<i64: 5, 768>}, {transform_indices = @transform_1, window_bounds = array<i64: 256, 768>}, {transform_indices = @transform_2, window_bounds = array<i64: 5, 256, 768>}]} {
    %get3A = arith.constant 0 : index
    %get3A_0 = arith.constant 0 : index
    %get3A_1 = vector.load %arg1[%get3A, %get3A_0] : memref<5x768xf32, #tpu.memory_space<vmem>>, vector<5x768xf32>
    %broadcast_in_dim3A = vector.shape_cast %get3A_1 : vector<5x768xf32> to vector<5x1x768xf32>
    %get3A_2 = arith.constant 0 : index
    %get3A_3 = arith.constant 0 : index
    %get3A_4 = vector.load %arg2[%get3A_2, %get3A_3] : memref<256x768xf32, #tpu.memory_space<vmem>>, vector<256x768xf32>
    %broadcast_in_dim3A_5 = vector.shape_cast %get3A_4 : vector<256x768xf32> to vector<1x256x768xf32>
    %add3A = vector.broadcast %broadcast_in_dim3A : vector<5x1x768xf32> to vector<5x256x768xf32>
    %add3A_6 = vector.broadcast %broadcast_in_dim3A_5 : vector<1x256x768xf32> to vector<5x256x768xf32>
    %add3A_7 = arith.addf %add3A, %add3A_6 : vector<5x256x768xf32>
    %swap3A = arith.constant 0 : index
    %swap3A_8 = arith.constant 0 : index
    %swap3A_9 = arith.constant 0 : index
    %swap3A_10 = vector.load %arg3[%swap3A, %swap3A_8, %swap3A_9] : memref<5x256x768xf32, #tpu.memory_space<vmem>>, vector<5x256x768xf32>
    tpu.vector_store %arg3[%swap3A, %swap3A_8, %swap3A_9], %add3A_7 {strides = array<i32>} : memref<5x256x768xf32, #tpu.memory_space<vmem>>, vector<5x256x768xf32>,
    return
  }
  func.func @transform_0(%arg0: i32) -> (i32, i32) {
    %c0_i32 = arith.constant 0 : i32
    %c0_i32_0 = arith.constant 0 : i32
    %c0_i32_1 = arith.constant 0 : i32
    return %c0_i32, %c0_i32_0 : i32, i32
  }
  func.func @transform_1(%arg0: i32) -> (i32, i32) {
    %c0_i32 = arith.constant 0 : i32
    %c0_i32_0 = arith.constant 0 : i32
    return %arg0, %c0_i32 : i32, i32
  }
  func.func @transform_2(%arg0: i32) -> (i32, i32, i32) {
    %c0_i32 = arith.constant 0 : i32
    %c0_i32_0 = arith.constant 0 : i32
    %c0_i32_1 = arith.constant 0 : i32
    return %c0_i32, %arg0, %c0_i32_0 : i32, i32, i32
  }
}

</mosaic_0001>

<sc_bundles>
// kernel: kernel.4.cloned.1.call-start
scs
__scs_entry_jumppad:
0x0: {  	(pc) =	sbr.rel $0x88, $3  }
0x1: {  	(tag) =	ssettag $0x0;
	lr =	simm.s32 $0x1  }
0x2: {  	[smem:$0x3F9F] =	sst lr;
	_ =	strace $0xD0000000  }
0x3: {  	_ = 	snop  }
0x4: {  	_ = 	snop  }
0x5: {  	_ = 	snop  }
0x6: {  	_ = 	snop  }
0x7: {  	_ = 	snop  }
__scs_overlays_trampoline_lowered:
0x8: {  	[smem:$0x3FAE] =	sst s0  }
0x9: {  	[smem:$0x3FAF] =	sst s1  }
0xa: {  	[smem:$0x3FB0] =	sst s2  }
0xb: {  	[smem:$0x3FB1] =	sst s3  }
0xc: {  	[smem:$0x3FB2] =	sst s4  }
0xd: {  	[smem:$0x3FB3] =	sst s5  }
0xe: {  	[smem:$0x3FB4] =	sst s6  }
0xf: {  	[smem:$0x3FB5] =	sst s7  }
0x10: {  	[smem:$0x3FB6] =	sst s8  }
0x11: {  	[smem:$0x3FB7] =	sst s9;
	s0 =	simm.s32 @!p0 $0x0  }
0x12: {  	s1 =	sld [smem:$0x3F9D];
	s0 =	simm.s32 @p0 $0x1  }
0x13: {  	[smem:$0x3FB8] =	sst s0;
	s0 =	simm.s32 @!p1 $0x0  }
0x14: {  	s2 =	sld [smem:$0x3F9C];
	s0 =	simm.s32 @p1 $0x1  }
0x15: {  	[smem:$0x3FB9] =	sst s0;
	s0 =	simm.s32 @!p2 $0x0  }
0x16: {  	s3 =	sld [smem:$0x3FDB];
	s0 =	simm.s32 @p2 $0x1  }
0x17: {  	s4 =	simm.s32 $0x1BF5;
	[smem:$0x3FBB] =	sst s0  }
0x18: {  	s0 =	sld [smem:$0x3F9E];
	_ =	swait.ge [sflag:s4], $0x0  }
0x19: {  	s7 =	sld [smem:$0x3F9F]  }
0x1a: {  	s8 =	sadd.s32 $0xFFFFE003, lr  }
0x1b: {  	s9 =	sadd.s32 $0xFFFFFEF7, lr;
	s5 =	simm.s32 $0xFFFFFFFF;
	p2 =	slt.u32 s8, $0xFFFFF086  }
0x1c: {  	p1 =	slt.u32 s9, $0xF7A;
	s5 =	simm.s32 @!p2 $0x0  }
0x1d: {  	s5 =	simm.s32 @p1 $0x1;
	p0 =	seq.s32 s7, s2  }
0x1e: {  	s7 =	smul.u32 @!p0 $0xF7A, s2;
	p2 =	seq.s32 @!p0 s5, $0x0  }
0x1f: {  	s9 =	smul.u32 $0xF7A, s1;
	s8 =	simm.s32 @!p0 $0x1BF5;
	p2 =	por !p2, p0  }
0x20: {  	[sflag:s8] =	ssyncset.s32 @!p0 $0xFFFFF086;
	s6 =	sadd.s32 @!p0 s3, s7;
	s7 =	simm.s32 @!p0 $0x108  }
0x21: {  	s3 =	sadd.s32 s3, s9;
	s6 =	sadd.s32 @!p0 $0x88, s6;
	s7 =	simm.s32 @p2 $0x1082  }
0x22: {  	[simem:s7], [sflag:s8] =	dma.local @!p0 [hbm:s6], $0xF7A  }
0x23: {  	s9 =	sor.u32 $0xD0000000, s2;
	s6 =	simm.s32 $0x108;
	_ =	swait.ge @!p0 [sflag:s8], $0x0  }
0x24: {  	s3 =	sadd.s32 $0x88, s3;
	s6 =	simm.s32 @!p1 $0x1082;
	[sflag:s4] =	ssyncset.s32 $0xFFFFF086  }
0x25: {  	[simem:s6], [sflag:s4] =	dma.local [hbm:s3], $0xF7A  }
0x26: {  	[smem:$0x3F9F] =	sst s1;
	(tag) =	ssettag s2;
	_ =	strace s9  }
0x27: {  	s1 =	sld [smem:$0x3FAF]  }
0x28: {  	s2 =	sld [smem:$0x3FB0]  }
0x29: {  	s4 =	sld [smem:$0x3FB2]  }
0x2a: {  	p0 =	seq.s32 s5, $0x0;
	s5 =	sld [smem:$0x3FB3]  }
0x2b: {  	s6 =	sld [smem:$0x3FB4]  }
0x2c: {  	s7 =	sld [smem:$0x3FB5]  }
0x2d: {  	s3 =	simm.s32 $0x108;
	s8 =	sld [smem:$0x3FB6]  }
0x2e: {  	s3 =	simm.s32 @!p0 $0x1082;
	s9 =	sld [smem:$0x3FB7]  }
0x2f: {  	lr =	sadd.s32 s0, s3;
	s0 =	sld [smem:$0x3FAE]  }
0x30: {  	s3 =	sld [smem:$0x3FB1]  }
0x31: {  	[smem:$0x3FBA] =	sst s10  }
0x32: {  	s10 =	sld [smem:$0x3FB8];
	_ =	sdelay $0x3  }
0x33: {  	p0 =	seq.s32 s10, $0x1;
	s10 =	sld [smem:$0x3FBA];
	_ =	sdelay $0x3  }
0x34: {  	[smem:$0x3FBA] =	sst s10  }
0x35: {  	s10 =	sld [smem:$0x3FB9];
	_ =	sdelay $0x3  }
0x36: {  	p1 =	seq.s32 s10, $0x1;
	s10 =	sld [smem:$0x3FBA];
	_ =	sdelay $0x3  }
0x37: {  	[smem:$0x3FBA] =	sst s10  }
0x38: {  	s10 =	sld [smem:$0x3FBB]  }
0x39: {  	_ = 	snop;
	(pc) =	sbr.ind lr, $3  }
0x3a: {  	_ = 	snop  }
0x3b: {  	_ = 	snop  }
0x3c: {  	p2 =	seq.s32 s10, $0x1;
	s10 =	sld [smem:$0x3FBA]  }
0x3d: {  	_ =	shalt  }
0x3e: {  	_ =	shalt  }
0x3f: {  	_ =	shalt  }
0x40: {  	_ =	shalt  }
0x41: {  	_ =	shalt  }
0x42: {  	_ =	shalt  }
0x43: {  	_ =	shalt  }
0x44: {  	_ =	shalt  }
0x45: {  	_ =	shalt  }
0x46: {  	_ =	shalt  }
0x47: {  	_ =	shalt  }
0x48: {  	_ =	shalt  }
0x49: {  	_ =	shalt  }
0x4a: {  	_ =	shalt  }
0x4b: {  	_ =	shalt  }
0x4c: {  	_ =	shalt  }
0x4d: {  	_ =	shalt  }
0x4e: {  	_ =	shalt  }
0x4f: {  	_ =	shalt  }
0x50: {  	_ =	shalt  }
0x51: {  	_ =	shalt  }
0x52: {  	_ =	shalt  }
0x53: {  	_ =	shalt  }
0x54: {  	_ =	shalt  }
0x55: {  	_ =	shalt  }
0x56: {  	_ =	shalt  }
0x57: {  	_ =	shalt  }
0x58: {  	_ =	shalt  }
0x59: {  	_ =	shalt  }
0x5a: {  	_ =	shalt  }
0x5b: {  	_ =	shalt  }
0x5c: {  	_ =	shalt  }
0x5d: {  	_ =	shalt  }
0x5e: {  	_ =	shalt  }
0x5f: {  	_ =	shalt  }
0x60: {  	_ =	shalt  }
0x61: {  	_ =	shalt  }
0x62: {  	_ =	shalt  }
0x63: {  	_ =	shalt  }
0x64: {  	_ =	shalt  }
0x65: {  	_ =	shalt  }
0x66: {  	_ =	shalt  }
0x67: {  	_ =	shalt  }
0x68: {  	_ =	shalt  }
0x69: {  	_ =	shalt  }
0x6a: {  	_ =	shalt  }
0x6b: {  	_ =	shalt  }
0x6c: {  	_ =	shalt  }
0x6d: {  	_ =	shalt  }
0x6e: {  	_ =	shalt  }
0x6f: {  	_ =	shalt  }
0x70: {  	_ =	shalt  }
0x71: {  	_ =	shalt  }
0x72: {  	_ =	shalt  }
0x73: {  	_ =	shalt  }
0x74: {  	_ =	shalt  }
0x75: {  	_ =	shalt  }
0x76: {  	_ =	shalt  }
0x77: {  	_ =	shalt  }
0x78: {  	_ =	shalt  }
0x79: {  	_ =	shalt  }
0x7a: {  	_ =	shalt  }
0x7b: {  	_ =	shalt  }
0x7c: {  	_ =	shalt  }
0x7d: {  	_ =	shalt  }
0x7e: {  	_ =	shalt  }
0x7f: {  	_ =	shalt  }
0x80: {  	_ =	shalt  }
0x81: {  	_ =	shalt  }
0x82: {  	_ =	shalt  }
0x83: {  	_ =	shalt  }
0x84: {  	_ =	shalt  }
0x85: {  	_ =	shalt  }
0x86: {  	_ =	shalt  }
0x87: {  	_ =	shalt  }
.Lfunc_end0:
.L_simem_size_0:
called_computation_lowered:
.L_overlay_start_0:
0x88: {  	s2 =	sld [smem:$0x3FD9]  }
0x89: {  	s3 =	sld [smem:$0x3FFE];
	_ =	sdelay $0x1  }
0x8a: {  	s1 =	srdreg.scid  }
0x8b: {  	s0 =	sand.u32 $0x1, s1  }
0x8c: {  	s17 =	sshll.u32 s0, $0xA;
	s2 =	sadd.s32 s3, s2  }
0x8d: {  	s2 =	sadd.s32 s2, s17  }
0x8e: {  	[smem:$0x3FC6] =	sst s2  }
0x8f: {  	_ = 	snop  }
0x90: {  	s2 =	sld [smem:$0x3FD0];
	(tm) =	ssettm $0x1  }
0x91: {  	s18 =	sld [smem:$0x3FFB];
	_ =	sdelay $0x3  }
0x92: {  	_ =	strace s18  }
0x93: {  	s3 =	sld [smem:$0x3FFC];
	_ =	sdelay $0x3  }
0x94: {  	_ =	strace s3  }
0x95: {  	s3 =	sld [smem:$0x3FFD];
	_ =	sdelay $0x3  }
0x96: {  	_ =	strace s3  }
0x97: {  	_ =	strace $0x8FFFFFFF  }
0x98: {  	s19 =	sld [smem:$0x3FDB];
	_ =	sdelay $0x1  }
0x99: {  	s4 =	simm.s32 $_scs_section_size  }
0x9a: {  	s5 =	simm.s32 $_size__tile_overlayer_lowered;
	s6 =	simm.s32 $_tile_overlayer_lowered  }
0x9b: {  	s22 =	simm.s32 $0x1BFF;
	s21 =	sshll.u32 s6, $0x1;
	s3 =	sadd.s32 s4, s19  }
0x9c: {  	s7 =	simm.s32 $0x0;
	s20 =	sshll.u32 s5, $0x1;
	s5 =	sadd.s32 s21, s3  }
0x9d: {  	[timem:s7], [sflag:s22] =	dma.local [hbm:s5], s20  }
0x9e: {  	_ =	swait.ge [sflag:s22], s20  }
0x9f: {  	s4 =	ssub.s32 $0x0, s20;
	[sflag:s22] =	ssyncset.done $0x0  }
0xa0: {  	[sflag:s22] =	ssyncadd.s32 s4;
	_ =	sdelay $0x1  }
0xa1: {  	s23 =	simm.s32 $0x1B8B  }
0xa2: {  	_ =	swait.ge [sflag:s23], $0x1  }
0xa3: {  	[sflag:s23] =	ssyncset.done $0x0  }
0xa4: {  	s25 =	simm.s32 $0x1B8E;
	s24 =	sld [smem:$0x3FFE];
	[sflag:s23] =	ssyncadd.s32 $0xFFFFFFFF  }
0xa5: {  	s26 =	simm.s32 $execute0_lowered;
	[smem:$0x3FD2] =	sst s25  }
0xa6: {  	s5 =	sshll.u32 s26, $0x1;
	_ =	strace $0x80000046;
	[dreg:$0x1] =	wrdreg $0xFFFFFFFF  }
0xa7: {  	s28 =	simm.s32 $_size_execute0_lowered;
	s3 =	sadd.s32 s3, s5;
	[dreg:$0x0] =	wrdreg $0x0  }
0xa8: {  	s5 =	sshll.u32 s28, $0x1;
	[dreg:$0x2] =	wrdreg s3  }
0xa9: {  	[dreg:$0x3] =	wrdreg s5  }
0xaa: {  	[dreg:$0x4] =	wrdreg $0xC0  }
0xab: {  	_ =	task [dreg:s7], $0x5FFFF  }
0xac: {  	[dreg:$0x1] =	wrdreg $0xFFFFFFFF  }
0xad: {  	[dreg:$0x0] =	wrdreg $0x60  }
0xae: {  	[dreg:$0x2] =	wrdreg s24  }
0xaf: {  	[dreg:$0x3] =	wrdreg s2  }
0xb0: {  	[dreg:$0x4] =	wrdreg $0x9  }
0xb1: {  	_ =	task.clear_ibuf [dreg:s7], $0x5FFFF;
	_ =	strace $0x90000046  }
0xb2: {  	s29 =	simm.s32 $0x9;
	_ =	strace $0x80000048  }
0xb3: {  	_ =	swait.ge [sflag:s29], $0x1  }
0xb4: {  	[sflag:s29] =	ssyncadd.s32 $0xFFFFFFFF  }
0xb5: {  	_ =	strace $0x90000048  }
0xb6: {  	_ =	sfence  }
0xb7: {  	s30 =	sld [smem:$0x0];
	_ =	sdelay $0x2  }
0xb8: {  	s31 =	sshll.u32 s1, $0xD;
	s1 =	sshrl.u32 s1, $0x2  }
0xb9: {  	s3 =	sand.u32 $0x4000, s31;
	s1 =	sadd.s32 s1, s30  }
0xba: {  	s0 =	sor.u32 s3, s0;
	s1 =	sshll.u32 s1, $0x11  }
0xbb: {  	s0 =	sor.u32 s1, s0  }
0xbc: {  	s0 =	sadd.s32 $0x8F2B, s0  }
0xbd: {  	[sflag:s0] =	ssyncadd.remote.s32 $0x1  }
0xbe: {  	_ =	sfence.sel $0xFFFF  }
0xbf: {  	[dreg:$0x0] =	wrdreg $0xFFFFFFFF;
	(pc) =	sbr.abs _section_cstart, $3  }
0xc0: {  	[dreg:$0x1] =	wrdreg $0xFFFFFFFF  }
0xc1: {  	_ =	task.clear_ibuf [dreg:s7], $0x2FFFF;
	_ =	strace $0x9FFFFFFF  }
0xc2: {  	(tm) =	ssettm $0x7FFFFFFF  }
0xc3: {  	_ =	shalt  }
tec
execute0_lowered:
.L_overlay_start_1:
0x0: {  	(tag) =	ssettag $0x1  }
0x1: {  	s0 =	srdreg.scid  }
0x2: {  	s2 =	stileid.u32;
	s0 =	sand.u32 $0x1, s0  }
0x3: {  	s1 =	rddreg [dreg:$0x0];
	s2 =	sshll.u32 s2, $0xD;
	s3 =	sshll.u32 s0, $0xC  }
0x4: {  	s5 =	rddreg [dreg:$0x1];
	s2 =	sor.u32 s3, s2;
	s3 =	simm.s32 $0x0  }
0x5: {  	s29 =	simm.s32 $0xD800;
	[smem:$0x7FF] =	sst s3  }
0x6: {  	s10 =	simm.s32 $0xF000;
	_ =	strace $0x80000047;
	[dreg:$0x6] =	wrdreg s29  }
0x7: {  	s11 =	simm.s32 $0xF800;
	[dreg:$0x9] =	wrdreg s10  }
0x8: {  	s12 =	simm.s32 $0x10000;
	[dreg:$0xa] =	wrdreg s11  }
0x9: {  	s13 =	simm.s32 $0x10800;
	[dreg:$0xb] =	wrdreg s12  }
0xa: {  	s14 =	simm.s32 $0x11000;
	[dreg:$0xc] =	wrdreg s13  }
0xb: {  	s15 =	simm.s32 $0x11800;
	s16 =	simm.s32 $0x12000;
	[dreg:$0xd] =	wrdreg s14  }
0xc: {  	s17 =	simm.s32 $0x12800;
	s18 =	simm.s32 $0x13800;
	[dreg:$0xe] =	wrdreg s15  }
0xd: {  	s19 =	simm.s32 $0x14000;
	s20 =	simm.s32 $0x14800;
	[dreg:$0xf] =	wrdreg s16  }
0xe: {  	s21 =	simm.s32 $0x15000;
	s22 =	simm.s32 $0x15800;
	[dreg:$0x10] =	wrdreg s17  }
0xf: {  	s23 =	simm.s32 $0x16000;
	s24 =	simm.s32 $0x16800;
	[dreg:$0x11] =	wrdreg s18  }
0x10: {  	s25 =	simm.s32 $0x17000;
	s26 =	simm.s32 $0x17800;
	[dreg:$0x12] =	wrdreg s19  }
0x11: {  	s30 =	simm.s32 $0xA800;
	s0 =	ssub.s32 $0x2, s0;
	[dreg:$0x13] =	wrdreg s20  }
0x12: {  	s31 =	simm.s32 $0xB000;
	s28 =	sshrl.u32 s0, $0x1;
	[dreg:$0x14] =	wrdreg s21  }
0x13: {  	s4 =	sor.u32 $0x40, s2;
	s6 =	sor.u32 $0x60, s2;
	[dreg:$0x15] =	wrdreg s22  }
0x14: {  	s7 =	sshrl.u32 s2, $0x3;
	s0 =	ssub.s32 s0, s28;
	[dreg:$0x16] =	wrdreg s23  }
0x15: {  	s28 =	simm.s32 $0x18000;
	s4 =	sshrl.u32 s4, $0x3;
	[dreg:$0x17] =	wrdreg s24  }
0x16: {  	s6 =	sshrl.u32 s6, $0x3;
	s8 =	sadd.s32 s7, s1;
	[dreg:$0x18] =	wrdreg s25  }
0x17: {  	s7 =	smul.u32 $0x300, s7;
	s10 =	simm.s32 $0x1000;
	[dreg:$0x19] =	wrdreg s26  }
0x18: {  	s22 =	simm.s32 $0x7000;
	[dreg:$0x1a] =	wrdreg s28;
	s29 =	simm.s32 $0x18800  }
0x19: {  	s11 =	simm.s32 $0xC800;
	s12 =	simm.s32 $0x1;
	s13 =	simm.s32 $0xD000  }
0x1a: {  	s14 =	simm.s32 $0x2;
	s15 =	simm.s32 $0x13000;
	s16 =	simm.s32 $0x3  }
0x1b: {  	s17 =	simm.s32 $0x5;
	s18 =	simm.s32 $0x4;
	s4 =	smul.u32 $0x300, s4  }
0x1c: {  	s19 =	simm.s32 $0x6;
	s20 =	simm.s32 $0x7;
	s6 =	smul.u32 $0x300, s6  }
0x1d: {  	s21 =	simm.s32 $0x8;
	[dreg:$0x1b] =	wrdreg s29;
	s9 =	sadd.s32 s4, s5  }
0x1e: {  	s23 =	simm.s32 $0x0;
	s6 =	sadd.s32 s6, s5;
	[dreg:$0x3] =	wrdreg s9  }
0x1f: {  	s4 =	sadd.s32 $0x4800, s1;
	s5 =	sadd.s32 s7, s5;
	[dreg:$0x4] =	wrdreg s6  }
0x20: {  	s7 =	simm.s32 $0xE000;
	[dreg:$0x5] =	wrdreg s5;
	s5 =	sadd.s32 $0x800, s8  }
0x21: {  	v0 =	vlaneseq.u32;
	[dreg:$0x7] =	wrdreg s7;
	s9 =	simm.s32 $0xE800;
	s6 =	sadd.s32 $0x4900, s1  }
0x22: {  	vm0 =	vmmov $0xffff;
	v2 =	vshrl.u32 v0, $0x3;
	s7 =	sadd.s32 $0x4A00, s1;
	s8 =	smax.u32 s0, $0x1;
	s1 =	simm.s32 $0xB800  }
0x23: {  	v1 =	vand.u32 $0x7, v0;
	v3 =	vor.u32 $0x8, v0;
	v2 =	vmul.u32 $0x8, v2;
	s0 =	simm.s32 $0xC000;
	[dreg:$0x8] =	wrdreg s9;
	s9 =	simm.s32 $0x9  }
.LBB2_1:
0x24: {  	[tilespmem:s3], [sflag:$0x9] =	stream.linear.gather [hbm4b:s5+s3], $0x1000, $0x38;
	[tilespmem:$0x19000] =	vst v63  }
0x25: {  	_ =	swait.ge [sflag:s9], $0x1000  }
0x26: {  	[sflag:s9] =	ssyncset.done $0x0  }
0x27: {  	s25 =	simm.s32 $0x0;
	[sflag:s9] =	ssyncadd.s32 $0xFFFFF000  }
0x28: {  	v4 =	vld [tilespmem:s25+$0x0];
	_ =	sdelay $0x3  }
0x29: {  	v5 =	vor.u32 s2, v0  }
0x2a: {  	v5 =	vand.u32 $0x7FF, v5;
	v4 =	vshll.u32 v4, $0xB  }
0x2b: {  	v4 =	vor.u32 v5, v4  }
0x2c: {  	s24 =	simm.s32 $0x10;
	s26 =	simm.s32 $0x80;
	[tilespmem:s25+$0x0] =	vst v4;
	s25 =	smov.u32 s2  }
.LBB2_2:
0x2d: {  	p0 =	sne.s32 s26, $0x3FC0;
	v4 =	vld [tilespmem:s24+$0x0];
	_ =	sdelay $0x2  }
.Ltmp0:
0x2e: {  	s25 =	sadd.s32 $0x10, s25;
	(pc) =	sbr.rel @p0 .LBB2_2-.Ltmp0, $4  }
0x2f: {  	v5 =	vor.u32 s25, v0  }
0x30: {  	v5 =	vand.u32 $0x7FF, v5;
	v4 =	vshll.u32 v4, $0xB  }
0x31: {  	v4 =	vor.u32 v5, v4  }
0x32: {  	[tilespmem:s24+$0x0] =	vst v4;
	s24 =	sshra.s32 s26, $0x2;
	s26 =	sadd.s32 $0x40, s26  }
0x33: {  	v4 =	vld [tilespmem:s24+$0x0];
	_ =	sdelay $0x2  }
0x34: {  	s25 =	sadd.s32 $0x10, s25  }
0x35: {  	v5 =	vor.u32 s25, v0  }
0x36: {  	v5 =	vand.u32 $0x7FF, v5;
	v4 =	vshll.u32 v4, $0xB  }
0x37: {  	v4 =	vor.u32 v5, v4  }
0x38: {  	[tilespmem:s24+$0x0] =	vst v4  }
0x39: {  	v4 =	vld [tilespmem:$0x0];
	_ =	sdelay $0x4  }
0x3a: {  	v5 =	vshrl.u32 v4, $0x3  }
0x3b: {  	v5 =	vmul.u32 $0x30, v5  }
0x3c: {  	v4 =	vand.u32 $0x7, v4  }
0x3d: {  	v4 =	vor.u32 v4, v5  }
0x3e: {  	v5 =	vperm.xlane v4, v1;
	_ =	sdelay $0x1  }
0x3f: {  	v5 =	vadd.s32 v2, v5;
	_ =	sdelay $0x3  }
0x40: {  	s24 =	simm.s32 $0x0;
	v4 =	vperm.xlane v4, v3  }
0x41: {  	[tilespmem:s10], [sflag:$0x1] =	stream.indirect_vreg.gather [hbm4b:s4+s24], $0x80, v5, vm0, $0xb8;
	[tilespmem:$0x19000] =	vst v63  }
0x42: {  	s28 =	simm.s32 $0x1800;
	v4 =	vadd.s32 v2, v4  }
0x43: {  	[tilespmem:s28], [sflag:$0x1] =	stream.indirect_vreg.gather [hbm4b:s6+s24], $0x80, v5, vm0, $0xb8;
	[tilespmem:$0x19000] =	vst v63  }
0x44: {  	s29 =	simm.s32 $0x2000  }
0x45: {  	[tilespmem:s29], [sflag:$0x1] =	stream.indirect_vreg.gather [hbm4b:s7+s24], $0x80, v5, vm0, $0xb8;
	[tilespmem:$0x19000] =	vst v63  }
0x46: {  	s26 =	simm.s32 $0x2800  }
0x47: {  	[tilespmem:s26], [sflag:$0x1] =	stream.indirect_vreg.gather [hbm4b:s4+s24], $0x80, v4, vm0, $0xb8;
	[tilespmem:$0x19000] =	vst v63  }
0x48: {  	s28 =	simm.s32 $0x3000  }
0x49: {  	[tilespmem:s28], [sflag:$0x1] =	stream.indirect_vreg.gather [hbm4b:s6+s24], $0x80, v4, vm0, $0xb8;
	[tilespmem:$0x19000] =	vst v63  }
0x4a: {  	s29 =	simm.s32 $0x3800  }
0x4b: {  	[tilespmem:s29], [sflag:$0x1] =	stream.indirect_vreg.gather [hbm4b:s7+s24], $0x80, v4, vm0, $0xb8;
	[tilespmem:$0x19000] =	vst v63  }
0x4c: {  	v4 =	vld [tilespmem:$0x10];
	_ =	sdelay $0x4  }
0x4d: {  	v5 =	vshrl.u32 v4, $0x3  }
0x4e: {  	v5 =	vmul.u32 $0x30, v5  }
0x4f: {  	v4 =	vand.u32 $0x7, v4  }
0x50: {  	v4 =	vor.u32 v4, v5  }
0x51: {  	v5 =	vperm.xlane v4, v1;
	_ =	sdelay $0x1  }
0x52: {  	v5 =	vadd.s32 v2, v5;
	_ =	sdelay $0x3  }
0x53: {  	s26 =	simm.s32 $0x4000;
	v4 =	vperm.xlane v4, v3  }
0x54: {  	[tilespmem:s26], [sflag:$0x1] =	stream.indirect_vreg.gather [hbm4b:s4+s24], $0x80, v5, vm0, $0xb8;
	[tilespmem:$0x19000] =	vst v63  }
0x55: {  	s28 =	simm.s32 $0x4800;
	v4 =	vadd.s32 v2, v4  }
0x56: {  	[tilespmem:s28], [sflag:$0x1] =	stream.indirect_vreg.gather [hbm4b:s6+s24], $0x80, v5, vm0, $0xb8;
	[tilespmem:$0x19000] =	vst v63  }
0x57: {  	s29 =	simm.s32 $0x5000  }
0x58: {  	[tilespmem:s29], [sflag:$0x1] =	stream.indirect_vreg.gather [hbm4b:s7+s24], $0x80, v5, vm0, $0xb8;
	[tilespmem:$0x19000] =	vst v63  }
0x59: {  	s26 =	simm.s32 $0x5800  }
0x5a: {  	[tilespmem:s26], [sflag:$0x1] =	stream.indirect_vreg.gather [hbm4b:s4+s24], $0x80, v4, vm0, $0xb8;
	[tilespmem:$0x19000] =	vst v63  }
0x5b: {  	s28 =	simm.s32 $0x6000  }
0x5c: {  	[tilespmem:s28], [sflag:$0x1] =	stream.indirect_vreg.gather [hbm4b:s6+s24], $0x80, v4, vm0, $0xb8;
	[tilespmem:$0x19000] =	vst v63  }
0x5d: {  	s29 =	simm.s32 $0x6800  }
0x5e: {  	[tilespmem:s29], [sflag:$0x1] =	stream.indirect_vreg.gather [hbm4b:s7+s24], $0x80, v4, vm0, $0xb8;
	[tilespmem:$0x19000] =	vst v63  }
0x5f: {  	v4 =	vld [tilespmem:$0x20];
	_ =	sdelay $0x4  }
0x60: {  	v5 =	vshrl.u32 v4, $0x3  }
0x61: {  	v5 =	vmul.u32 $0x30, v5  }
0x62: {  	v4 =	vand.u32 $0x7, v4  }
0x63: {  	v4 =	vor.u32 v4, v5  }
0x64: {  	v5 =	vperm.xlane v4, v1;
	_ =	sdelay $0x1  }
0x65: {  	v5 =	vadd.s32 v2, v5;
	_ =	sdelay $0x3  }
0x66: {  	v4 =	vperm.xlane v4, v3  }
0x67: {  	[tilespmem:s22], [sflag:$0x2] =	stream.indirect_vreg.gather [hbm4b:s4+s24], $0x80, v5, vm0, $0xb8;
	[tilespmem:$0x19000] =	vst v63  }
0x68: {  	s26 =	simm.s32 $0x7800;
	v4 =	vadd.s32 v2, v4  }
0x69: {  	[tilespmem:s26], [sflag:$0x2] =	stream.indirect_vreg.gather [hbm4b:s6+s24], $0x80, v5, vm0, $0xb8;
	[tilespmem:$0x19000] =	vst v63  }
0x6a: {  	s28 =	simm.s32 $0x8000  }
0x6b: {  	[tilespmem:s28], [sflag:$0x2] =	stream.indirect_vreg.gather [hbm4b:s7+s24], $0x80, v5, vm0, $0xb8;
	[tilespmem:$0x19000] =	vst v63  }
0x6c: {  	s29 =	simm.s32 $0x8800  }
0x6d: {  	[tilespmem:s29], [sflag:$0x2] =	stream.indirect_vreg.gather [hbm4b:s4+s24], $0x80, v4, vm0, $0xb8;
	[tilespmem:$0x19000] =	vst v63  }
0x6e: {  	s26 =	simm.s32 $0x9000  }
0x6f: {  	[tilespmem:s26], [sflag:$0x2] =	stream.indirect_vreg.gather [hbm4b:s6+s24], $0x80, v4, vm0, $0xb8;
	[tilespmem:$0x19000] =	vst v63  }
0x70: {  	s28 =	simm.s32 $0x9800  }
0x71: {  	[tilespmem:s28], [sflag:$0x2] =	stream.indirect_vreg.gather [hbm4b:s7+s24], $0x80, v4, vm0, $0xb8;
	[tilespmem:$0x19000] =	vst v63  }
0x72: {  	v4 =	vld [tilespmem:$0x30];
	_ =	sdelay $0x4  }
0x73: {  	v5 =	vshrl.u32 v4, $0x3  }
0x74: {  	v5 =	vmul.u32 $0x30, v5  }
0x75: {  	v4 =	vand.u32 $0x7, v4  }
0x76: {  	v4 =	vor.u32 v4, v5  }
0x77: {  	v5 =	vperm.xlane v4, v1;
	_ =	sdelay $0x1  }
0x78: {  	v5 =	vadd.s32 v2, v5;
	_ =	sdelay $0x3  }
0x79: {  	s29 =	simm.s32 $0xA000;
	v4 =	vperm.xlane v4, v3  }
0x7a: {  	[tilespmem:s29], [sflag:$0x2] =	stream.indirect_vreg.gather [hbm4b:s4+s24], $0x80, v5, vm0, $0xb8;
	[tilespmem:$0x19000] =	vst v63  }
0x7b: {  	v4 =	vadd.s32 v2, v4  }
0x7c: {  	[tilespmem:s30], [sflag:$0x2] =	stream.indirect_vreg.gather [hbm4b:s6+s24], $0x80, v5, vm0, $0xb8;
	[tilespmem:$0x19000] =	vst v63  }
0x7d: {  	_ = 	snop  }
0x7e: {  	[tilespmem:s31], [sflag:$0x2] =	stream.indirect_vreg.gather [hbm4b:s7+s24], $0x80, v5, vm0, $0xb8;
	[tilespmem:$0x19000] =	vst v63  }
0x7f: {  	_ = 	snop  }
0x80: {  	[tilespmem:s1], [sflag:$0x2] =	stream.indirect_vreg.gather [hbm4b:s4+s24], $0x80, v4, vm0, $0xb8;
	[tilespmem:$0x19000] =	vst v63  }
0x81: {  	_ = 	snop  }
0x82: {  	[tilespmem:s0], [sflag:$0x2] =	stream.indirect_vreg.gather [hbm4b:s6+s24], $0x80, v4, vm0, $0xb8;
	[tilespmem:$0x19000] =	vst v63  }
0x83: {  	s25 =	simm.s32 $0x60  }
0x84: {  	[tilespmem:s11], [sflag:$0x2] =	stream.indirect_vreg.gather [hbm4b:s7+s24], $0x80, v4, vm0, $0xb8;
	[tilespmem:$0x19000] =	vst v63  }
.LBB2_4:
0x85: {  	_ =	swait.ge [sflag:s12], $0x6000  }
0x86: {  	p0 =	seq.s32 s24, $0x0;
	[sflag:s12] =	ssyncset.done $0x0  }
0x87: {  	s26 =	simm.s32 @!p0 $0x7;
	[sflag:s12] =	ssyncadd.s32 $0xFFFFA000  }
0x88: {  	_ =	swait.ge @!p0 [sflag:s26], $0x6000  }
0x89: {  	[sflag:s26] =	ssyncset.done @!p0 $0x0  }
0x8a: {  	[sflag:s26] =	ssyncadd.s32 @!p0 $0xFFFFA000  }
0x8b: {  	v4 =	vld [tilespmem:s25+$0xFFFFFFE0];
	_ =	sdelay $0x4  }
0x8c: {  	v5 =	vshrl.u32 v4, $0x3  }
0x8d: {  	v5 =	vmul.u32 $0x30, v5  }
0x8e: {  	v4 =	vand.u32 $0x7, v4  }
0x8f: {  	v4 =	vor.u32 v4, v5  }
0x90: {  	v5 =	vperm.xlane v4, v1;
	_ =	sdelay $0x1  }
0x91: {  	v5 =	vadd.s32 v2, v5;
	_ =	sdelay $0x3  }
0x92: {  	v4 =	vperm.xlane v4, v3  }
0x93: {  	[tilespmem:s13], [sflag:$0x3] =	stream.indirect_vreg.gather [hbm4b:s4+s3], $0x80, v5, vm0, $0xb8;
	[tilespmem:$0x19000] =	vst v63  }
0x94: {  	s29 =	rddreg [dreg:$0x6];
	v4 =	vadd.s32 v2, v4  }
0x95: {  	[tilespmem:s29], [sflag:$0x3] =	stream.indirect_vreg.gather [hbm4b:s6+s3], $0x80, v5, vm0, $0xb8;
	[tilespmem:$0x19000] =	vst v63  }
0x96: {  	s28 =	rddreg [dreg:$0x7]  }
0x97: {  	[tilespmem:s28], [sflag:$0x3] =	stream.indirect_vreg.gather [hbm4b:s7+s3], $0x80, v5, vm0, $0xb8;
	[tilespmem:$0x19000] =	vst v63  }
0x98: {  	s29 =	rddreg [dreg:$0x8]  }
0x99: {  	[tilespmem:s29], [sflag:$0x3] =	stream.indirect_vreg.gather [hbm4b:s4+s3], $0x80, v4, vm0, $0xb8;
	[tilespmem:$0x19000] =	vst v63  }
0x9a: {  	s28 =	rddreg [dreg:$0x9]  }
0x9b: {  	[tilespmem:s28], [sflag:$0x3] =	stream.indirect_vreg.gather [hbm4b:s6+s3], $0x80, v4, vm0, $0xb8;
	[tilespmem:$0x19000] =	vst v63  }
0x9c: {  	s29 =	rddreg [dreg:$0xa]  }
0x9d: {  	[tilespmem:s29], [sflag:$0x3] =	stream.indirect_vreg.gather [hbm4b:s7+s3], $0x80, v4, vm0, $0xb8;
	[tilespmem:$0x19000] =	vst v63  }
0x9e: {  	v4 =	vld [tilespmem:s25+$0xFFFFFFF0];
	_ =	sdelay $0x4  }
0x9f: {  	v5 =	vshrl.u32 v4, $0x3  }
0xa0: {  	v5 =	vmul.u32 $0x30, v5  }
0xa1: {  	v4 =	vand.u32 $0x7, v4  }
0xa2: {  	v4 =	vor.u32 v4, v5  }
0xa3: {  	v5 =	vperm.xlane v4, v1;
	_ =	sdelay $0x1  }
0xa4: {  	v5 =	vadd.s32 v2, v5;
	_ =	sdelay $0x2  }
0xa5: {  	s26 =	rddreg [dreg:$0x10]  }
0xa6: {  	s29 =	rddreg [dreg:$0xb];
	v4 =	vperm.xlane v4, v3  }
0xa7: {  	[tilespmem:s29], [sflag:$0x3] =	stream.indirect_vreg.gather [hbm4b:s4+s3], $0x80, v5, vm0, $0xb8;
	[tilespmem:$0x19000] =	vst v63  }
0xa8: {  	s28 =	rddreg [dreg:$0xc];
	v4 =	vadd.s32 v2, v4  }
0xa9: {  	[tilespmem:s28], [sflag:$0x3] =	stream.indirect_vreg.gather [hbm4b:s6+s3], $0x80, v5, vm0, $0xb8;
	[tilespmem:$0x19000] =	vst v63  }
0xaa: {  	s29 =	rddreg [dreg:$0xd]  }
0xab: {  	[tilespmem:s29], [sflag:$0x3] =	stream.indirect_vreg.gather [hbm4b:s7+s3], $0x80, v5, vm0, $0xb8;
	[tilespmem:$0x19000] =	vst v63  }
0xac: {  	s28 =	rddreg [dreg:$0xe]  }
0xad: {  	[tilespmem:s28], [sflag:$0x3] =	stream.indirect_vreg.gather [hbm4b:s4+s3], $0x80, v4, vm0, $0xb8;
	[tilespmem:$0x19000] =	vst v63  }
0xae: {  	s29 =	rddreg [dreg:$0xf]  }
0xaf: {  	[tilespmem:s29], [sflag:$0x3] =	stream.indirect_vreg.gather [hbm4b:s6+s3], $0x80, v4, vm0, $0xb8;
	[tilespmem:$0x19000] =	vst v63  }
0xb0: {  	s29 =	rddreg [dreg:$0x5]  }
0xb1: {  	[tilespmem:s26], [sflag:$0x3] =	stream.indirect_vreg.gather [hbm4b:s7+s3], $0x80, v4, vm0, $0xb8;
	[tilespmem:$0x19000] =	vst v63  }
0xb2: {  	s26 =	sadd.s32 s24, s29  }
0xb3: {  	[hbm4b:s26+s3] =	stream.linear.scatter [tilespmem:s10], [sflag:$0x5], $0x6000, $0x38;
	[tilespmem:$0x19000] =	vst v63  }
0xb4: {  	_ =	swait.ge [sflag:s14], $0x6000  }
0xb5: {  	[sflag:s14] =	ssyncset.done $0x0  }
0xb6: {  	s28 =	simm.s32 @!p0 $0x8;
	[sflag:s14] =	ssyncadd.s32 $0xFFFFA000  }
0xb7: {  	_ =	swait.ge @!p0 [sflag:s28], $0x6000  }
0xb8: {  	[sflag:s28] =	ssyncset.done @!p0 $0x0  }
0xb9: {  	[sflag:s28] =	ssyncadd.s32 @!p0 $0xFFFFA000  }
0xba: {  	v4 =	vld [tilespmem:s25+$0x0];
	_ =	sdelay $0x4  }
0xbb: {  	v5 =	vshrl.u32 v4, $0x3  }
0xbc: {  	v5 =	vmul.u32 $0x30, v5  }
0xbd: {  	v4 =	vand.u32 $0x7, v4  }
0xbe: {  	v4 =	vor.u32 v4, v5  }
0xbf: {  	v5 =	vperm.xlane v4, v1;
	_ =	sdelay $0x1  }
0xc0: {  	v5 =	vadd.s32 v2, v5;
	_ =	sdelay $0x3  }
0xc1: {  	v4 =	vperm.xlane v4, v3  }
0xc2: {  	[tilespmem:s15], [sflag:$0x4] =	stream.indirect_vreg.gather [hbm4b:s4+s3], $0x80, v5, vm0, $0xb8;
	[tilespmem:$0x19000] =	vst v63  }
0xc3: {  	s28 =	rddreg [dreg:$0x11];
	v4 =	vadd.s32 v2, v4  }
0xc4: {  	[tilespmem:s28], [sflag:$0x4] =	stream.indirect_vreg.gather [hbm4b:s6+s3], $0x80, v5, vm0, $0xb8;
	[tilespmem:$0x19000] =	vst v63  }
0xc5: {  	s29 =	rddreg [dreg:$0x12]  }
0xc6: {  	[tilespmem:s29], [sflag:$0x4] =	stream.indirect_vreg.gather [hbm4b:s7+s3], $0x80, v5, vm0, $0xb8;
	[tilespmem:$0x19000] =	vst v63  }
0xc7: {  	s28 =	rddreg [dreg:$0x13]  }
0xc8: {  	[tilespmem:s28], [sflag:$0x4] =	stream.indirect_vreg.gather [hbm4b:s4+s3], $0x80, v4, vm0, $0xb8;
	[tilespmem:$0x19000] =	vst v63  }
0xc9: {  	s29 =	rddreg [dreg:$0x14]  }
0xca: {  	[tilespmem:s29], [sflag:$0x4] =	stream.indirect_vreg.gather [hbm4b:s6+s3], $0x80, v4, vm0, $0xb8;
	[tilespmem:$0x19000] =	vst v63  }
0xcb: {  	s28 =	rddreg [dreg:$0x15]  }
0xcc: {  	[tilespmem:s28], [sflag:$0x4] =	stream.indirect_vreg.gather [hbm4b:s7+s3], $0x80, v4, vm0, $0xb8;
	[tilespmem:$0x19000] =	vst v63  }
0xcd: {  	v4 =	vld [tilespmem:s25+$0x10];
	_ =	sdelay $0x4  }
0xce: {  	v5 =	vshrl.u32 v4, $0x3  }
0xcf: {  	v5 =	vmul.u32 $0x30, v5  }
0xd0: {  	v4 =	vand.u32 $0x7, v4  }
0xd1: {  	v4 =	vor.u32 v4, v5  }
0xd2: {  	v5 =	vperm.xlane v4, v1;
	_ =	sdelay $0x1  }
0xd3: {  	v5 =	vadd.s32 v2, v5;
	_ =	sdelay $0x3  }
0xd4: {  	s28 =	rddreg [dreg:$0x16];
	v4 =	vperm.xlane v4, v3  }
0xd5: {  	[tilespmem:s28], [sflag:$0x4] =	stream.indirect_vreg.gather [hbm4b:s4+s3], $0x80, v5, vm0, $0xb8;
	[tilespmem:$0x19000] =	vst v63  }
0xd6: {  	s29 =	rddreg [dreg:$0x17];
	v4 =	vadd.s32 v2, v4  }
0xd7: {  	[tilespmem:s29], [sflag:$0x4] =	stream.indirect_vreg.gather [hbm4b:s6+s3], $0x80, v5, vm0, $0xb8;
	[tilespmem:$0x19000] =	vst v63  }
0xd8: {  	s28 =	rddreg [dreg:$0x18]  }
0xd9: {  	[tilespmem:s28], [sflag:$0x4] =	stream.indirect_vreg.gather [hbm4b:s7+s3], $0x80, v5, vm0, $0xb8;
	[tilespmem:$0x19000] =	vst v63  }
0xda: {  	s29 =	rddreg [dreg:$0x19]  }
0xdb: {  	[tilespmem:s29], [sflag:$0x4] =	stream.indirect_vreg.gather [hbm4b:s4+s3], $0x80, v4, vm0, $0xb8;
	[tilespmem:$0x19000] =	vst v63  }
0xdc: {  	s28 =	rddreg [dreg:$0x1a]  }
0xdd: {  	[tilespmem:s28], [sflag:$0x4] =	stream.indirect_vreg.gather [hbm4b:s6+s3], $0x80, v4, vm0, $0xb8;
	[tilespmem:$0x19000] =	vst v63  }
0xde: {  	s29 =	rddreg [dreg:$0x1b]  }
0xdf: {  	[tilespmem:s29], [sflag:$0x4] =	stream.indirect_vreg.gather [hbm4b:s7+s3], $0x80, v4, vm0, $0xb8;
	[tilespmem:$0x19000] =	vst v63  }
0xe0: {  	s26 =	sadd.s32 $0xC00, s26  }
0xe1: {  	[hbm4b:s26+s3] =	stream.linear.scatter [tilespmem:s22], [sflag:$0x6], $0x6000, $0x38;
	[tilespmem:$0x19000] =	vst v63  }
0xe2: {  	_ =	swait.ge [sflag:s16], $0x6000  }
0xe3: {  	[sflag:s16] =	ssyncset.done $0x0  }
0xe4: {  	[sflag:s16] =	ssyncadd.s32 $0xFFFFA000  }
0xe5: {  	_ =	swait.ge [sflag:s17], $0x6000  }
0xe6: {  	[sflag:s17] =	ssyncset.done $0x0  }
0xe7: {  	p0 =	seq.s32 s24, $0x5D000;
	[sflag:s17] =	ssyncadd.s32 $0xFFFFA000  }
0xe8: {  	v4 =	vld @!p0 [tilespmem:s25+$0x20];
	_ =	sdelay $0x4  }
0xe9: {  	v5 =	vshrl.u32 @!p0 v4, $0x3  }
0xea: {  	v5 =	vmul.u32 @!p0 $0x30, v5  }
0xeb: {  	v6 =	vlaneseq.u32 @!p0;
	v4 =	vand.u32 @!p0 $0x7, v4  }
0xec: {  	v7 =	vshrl.u32 @!p0 v6, $0x3;
	v4 =	vor.u32 @!p0 v4, v5;
	v5 =	vand.u32 @!p0 $0x7, v6  }
0xed: {  	v7 =	vmul.u32 @!p0 $0x8, v7;
	v8 =	vperm.xlane @!p0 v4, v5;
	_ =	sdelay $0x1  }
0xee: {  	v8 =	vadd.s32 @!p0 v7, v8;
	_ =	sdelay $0x2  }
0xef: {  	v6 =	vor.u32 @!p0 $0x8, v6  }
0xf0: {  	vm1 =	vmmov @!p0 $0xffff;
	s28 =	simm.s32 @!p0 $0x1000;
	s26 =	simm.s32 @!p0 $0x0;
	v4 =	vperm.xlane @!p0 v4, v6  }
0xf1: {  	[tilespmem:s28], [sflag:$0x1] =	stream.indirect_vreg.gather @!p0 [hbm4b:s4+s26], $0x80, v8, vm1, $0xb8;
	[tilespmem:$0x19000] =	vst v63  }
0xf2: {  	v4 =	vadd.s32 @!p0 v7, v4;
	s28 =	simm.s32 @!p0 $0x1800  }
0xf3: {  	[tilespmem:s28], [sflag:$0x1] =	stream.indirect_vreg.gather @!p0 [hbm4b:s6+s26], $0x80, v8, vm1, $0xb8;
	[tilespmem:$0x19000] =	vst v63  }
0xf4: {  	s28 =	simm.s32 @!p0 $0x2000  }
0xf5: {  	[tilespmem:s28], [sflag:$0x1] =	stream.indirect_vreg.gather @!p0 [hbm4b:s7+s26], $0x80, v8, vm1, $0xb8;
	[tilespmem:$0x19000] =	vst v63  }
0xf6: {  	s28 =	simm.s32 @!p0 $0x2800  }
0xf7: {  	[tilespmem:s28], [sflag:$0x1] =	stream.indirect_vreg.gather @!p0 [hbm4b:s4+s26], $0x80, v4, vm1, $0xb8;
	[tilespmem:$0x19000] =	vst v63  }
0xf8: {  	s28 =	simm.s32 @!p0 $0x3000  }
0xf9: {  	[tilespmem:s28], [sflag:$0x1] =	stream.indirect_vreg.gather @!p0 [hbm4b:s6+s26], $0x80, v4, vm1, $0xb8;
	[tilespmem:$0x19000] =	vst v63  }
0xfa: {  	s28 =	simm.s32 @!p0 $0x3800  }
0xfb: {  	[tilespmem:s28], [sflag:$0x1] =	stream.indirect_vreg.gather @!p0 [hbm4b:s7+s26], $0x80, v4, vm1, $0xb8;
	[tilespmem:$0x19000] =	vst v63  }
0xfc: {  	v4 =	vld @!p0 [tilespmem:s25+$0x30];
	_ =	sdelay $0x4  }
0xfd: {  	v8 =	vshrl.u32 @!p0 v4, $0x3  }
0xfe: {  	v8 =	vmul.u32 @!p0 $0x30, v8  }
0xff: {  	v4 =	vand.u32 @!p0 $0x7, v4  }
0x100: {  	v4 =	vor.u32 @!p0 v4, v8  }
0x101: {  	v8 =	vperm.xlane @!p0 v4, v5;
	_ =	sdelay $0x1  }
0x102: {  	v8 =	vadd.s32 @!p0 v7, v8;
	_ =	sdelay $0x3  }
0x103: {  	s28 =	simm.s32 @!p0 $0x4000;
	v4 =	vperm.xlane @!p0 v4, v6  }
0x104: {  	[tilespmem:s28], [sflag:$0x1] =	stream.indirect_vreg.gather @!p0 [hbm4b:s4+s26], $0x80, v8, vm1, $0xb8;
	[tilespmem:$0x19000] =	vst v63  }
0x105: {  	v4 =	vadd.s32 @!p0 v7, v4;
	s28 =	simm.s32 @!p0 $0x4800  }
0x106: {  	[tilespmem:s28], [sflag:$0x1] =	stream.indirect_vreg.gather @!p0 [hbm4b:s6+s26], $0x80, v8, vm1, $0xb8;
	[tilespmem:$0x19000] =	vst v63  }
0x107: {  	s28 =	simm.s32 @!p0 $0x5000  }
0x108: {  	[tilespmem:s28], [sflag:$0x1] =	stream.indirect_vreg.gather @!p0 [hbm4b:s7+s26], $0x80, v8, vm1, $0xb8;
	[tilespmem:$0x19000] =	vst v63  }
0x109: {  	s28 =	simm.s32 @!p0 $0x5800  }
0x10a: {  	[tilespmem:s28], [sflag:$0x1] =	stream.indirect_vreg.gather @!p0 [hbm4b:s4+s26], $0x80, v4, vm1, $0xb8;
	[tilespmem:$0x19000] =	vst v63  }
0x10b: {  	s28 =	simm.s32 @!p0 $0x6000  }
0x10c: {  	[tilespmem:s28], [sflag:$0x1] =	stream.indirect_vreg.gather @!p0 [hbm4b:s6+s26], $0x80, v4, vm1, $0xb8;
	[tilespmem:$0x19000] =	vst v63  }
0x10d: {  	s29 =	simm.s32 @!p0 $0x6800;
	s28 =	rddreg [dreg:$0x3]  }
0x10e: {  	[tilespmem:s29], [sflag:$0x1] =	stream.indirect_vreg.gather @!p0 [hbm4b:s7+s26], $0x80, v4, vm1, $0xb8;
	[tilespmem:$0x19000] =	vst v63  }
0x10f: {  	s28 =	sadd.s32 s24, s28  }
0x110: {  	[hbm4b:s28+s3] =	stream.linear.scatter [tilespmem:s13], [sflag:$0x7], $0x6000, $0x38;
	[tilespmem:$0x19000] =	vst v63  }
0x111: {  	_ =	swait.ge [sflag:s18], $0x6000  }
0x112: {  	[sflag:s18] =	ssyncset.done $0x0  }
0x113: {  	[sflag:s18] =	ssyncadd.s32 $0xFFFFA000  }
0x114: {  	_ =	swait.ge [sflag:s19], $0x6000  }
0x115: {  	[sflag:s19] =	ssyncset.done $0x0  }
0x116: {  	[sflag:s19] =	ssyncadd.s32 $0xFFFFA000  }
0x117: {  	v4 =	vld @!p0 [tilespmem:s25+$0x40];
	_ =	sdelay $0x4  }
0x118: {  	v8 =	vshrl.u32 @!p0 v4, $0x3  }
0x119: {  	v8 =	vmul.u32 @!p0 $0x30, v8  }
0x11a: {  	v4 =	vand.u32 @!p0 $0x7, v4  }
0x11b: {  	v4 =	vor.u32 @!p0 v4, v8  }
0x11c: {  	v8 =	vperm.xlane @!p0 v4, v5;
	_ =	sdelay $0x1  }
0x11d: {  	v8 =	vadd.s32 @!p0 v7, v8;
	_ =	sdelay $0x3  }
0x11e: {  	s28 =	simm.s32 @!p0 $0x7000;
	v4 =	vperm.xlane @!p0 v4, v6  }
0x11f: {  	[tilespmem:s28], [sflag:$0x2] =	stream.indirect_vreg.gather @!p0 [hbm4b:s4+s26], $0x80, v8, vm1, $0xb8;
	[tilespmem:$0x19000] =	vst v63  }
0x120: {  	v4 =	vadd.s32 @!p0 v7, v4;
	s28 =	simm.s32 @!p0 $0x7800  }
0x121: {  	[tilespmem:s28], [sflag:$0x2] =	stream.indirect_vreg.gather @!p0 [hbm4b:s6+s26], $0x80, v8, vm1, $0xb8;
	[tilespmem:$0x19000] =	vst v63  }
0x122: {  	s28 =	simm.s32 @!p0 $0x8000  }
0x123: {  	[tilespmem:s28], [sflag:$0x2] =	stream.indirect_vreg.gather @!p0 [hbm4b:s7+s26], $0x80, v8, vm1, $0xb8;
	[tilespmem:$0x19000] =	vst v63  }
0x124: {  	s28 =	simm.s32 @!p0 $0x8800  }
0x125: {  	[tilespmem:s28], [sflag:$0x2] =	stream.indirect_vreg.gather @!p0 [hbm4b:s4+s26], $0x80, v4, vm1, $0xb8;
	[tilespmem:$0x19000] =	vst v63  }
0x126: {  	s28 =	simm.s32 @!p0 $0x9000  }
0x127: {  	[tilespmem:s28], [sflag:$0x2] =	stream.indirect_vreg.gather @!p0 [hbm4b:s6+s26], $0x80, v4, vm1, $0xb8;
	[tilespmem:$0x19000] =	vst v63  }
0x128: {  	s28 =	simm.s32 @!p0 $0x9800  }
0x129: {  	[tilespmem:s28], [sflag:$0x2] =	stream.indirect_vreg.gather @!p0 [hbm4b:s7+s26], $0x80, v4, vm1, $0xb8;
	[tilespmem:$0x19000] =	vst v63  }
0x12a: {  	v4 =	vld @!p0 [tilespmem:s25+$0x50];
	_ =	sdelay $0x4  }
0x12b: {  	v8 =	vshrl.u32 @!p0 v4, $0x3  }
0x12c: {  	v8 =	vmul.u32 @!p0 $0x30, v8  }
0x12d: {  	v4 =	vand.u32 @!p0 $0x7, v4  }
0x12e: {  	v4 =	vor.u32 @!p0 v4, v8  }
0x12f: {  	v5 =	vperm.xlane @!p0 v4, v5;
	_ =	sdelay $0x1  }
0x130: {  	v5 =	vadd.s32 @!p0 v7, v5;
	_ =	sdelay $0x3  }
0x131: {  	s28 =	simm.s32 @!p0 $0xA000;
	v4 =	vperm.xlane @!p0 v4, v6  }
0x132: {  	[tilespmem:s28], [sflag:$0x2] =	stream.indirect_vreg.gather @!p0 [hbm4b:s4+s26], $0x80, v5, vm1, $0xb8;
	[tilespmem:$0x19000] =	vst v63  }
0x133: {  	v4 =	vadd.s32 @!p0 v7, v4;
	s28 =	simm.s32 @!p0 $0xA800  }
0x134: {  	[tilespmem:s28], [sflag:$0x2] =	stream.indirect_vreg.gather @!p0 [hbm4b:s6+s26], $0x80, v5, vm1, $0xb8;
	[tilespmem:$0x19000] =	vst v63  }
0x135: {  	s28 =	simm.s32 @!p0 $0xB000  }
0x136: {  	[tilespmem:s28], [sflag:$0x2] =	stream.indirect_vreg.gather @!p0 [hbm4b:s7+s26], $0x80, v5, vm1, $0xb8;
	[tilespmem:$0x19000] =	vst v63  }
0x137: {  	s28 =	simm.s32 @!p0 $0xB800  }
0x138: {  	[tilespmem:s28], [sflag:$0x2] =	stream.indirect_vreg.gather @!p0 [hbm4b:s4+s26], $0x80, v4, vm1, $0xb8;
	[tilespmem:$0x19000] =	vst v63  }
0x139: {  	s28 =	simm.s32 @!p0 $0xC000  }
0x13a: {  	[tilespmem:s28], [sflag:$0x2] =	stream.indirect_vreg.gather @!p0 [hbm4b:s6+s26], $0x80, v4, vm1, $0xb8;
	[tilespmem:$0x19000] =	vst v63  }
0x13b: {  	s29 =	simm.s32 @!p0 $0xC800;
	s28 =	rddreg [dreg:$0x4]  }
0x13c: {  	[tilespmem:s29], [sflag:$0x2] =	stream.indirect_vreg.gather @!p0 [hbm4b:s7+s26], $0x80, v4, vm1, $0xb8;
	[tilespmem:$0x19000] =	vst v63  }
0x13d: {  	s29 =	sadd.s32 s24, s28;
	s24 =	sadd.s32 $0x3000, s24  }
0x13e: {  	p0 =	sne.s32 s24, $0x60000  }
.Ltmp1:
0x13f: {  	_ = 	snop;
	(pc) =	sbr.rel @p0 .LBB2_4-.Ltmp1, $3  }
0x140: {  	_ =	sdelay $0x1  }
0x141: {  	s25 =	sadd.s32 $0x80, s25  }
0x142: {  	[hbm4b:s29+s3] =	stream.linear.scatter [tilespmem:s15], [sflag:$0x8], $0x6000, $0x38;
	[tilespmem:$0x19000] =	vst v63  }
0x143: {  	s23 =	sadd.s32 $0x1, s23  }
0x144: {  	_ =	swait.ge [sflag:s20], $0x6000;
	p0 =	sne.s32 s23, s8  }
.Ltmp2:
0x145: {  	[sflag:s20] =	ssyncset.done $0x0;
	(pc) =	sbr.rel @p0 .LBB2_1-.Ltmp2, $4  }
0x146: {  	[sflag:s20] =	ssyncadd.s32 $0xFFFFA000  }
0x147: {  	_ =	swait.ge [sflag:s21], $0x6000  }
0x148: {  	[sflag:s21] =	ssyncset.done $0x0  }
0x149: {  	[sflag:s21] =	ssyncadd.s32 $0xFFFFA000  }
0x14a: {  	_ =	sfence.sel $0x180000  }
0x14b: {  	[bflag:$0x0] =	sbarrier.arrive $0xFFFF  }
0x14c: {  	_ =	strace $0x90000047  }
0x14d: {  	s0 =	stileid.u32;
	[bflag:$0x2] =	sbarrier.arrive $0xFFFF  }
0x14e: {  	p0 =	sne.s32 s0, $0x0;
	s0 =	rddreg [dreg:$0x2]  }
0x14f: {  	s0 =	sadd.s32 @!p0 $0x100000, s0  }
0x150: {  	[sflag:s0] =	ssyncadd.tile.s32 @!p0 $0x1;
	_ =	shalt  }
.Lfunc_end2:
_tile_overlayer_lowered:
.L_overlay_start_2:
0x151: {  	(tag) =	ssettag $0x2  }
0x152: {  	s0 =	rddreg [dreg:$0x0];
	s2 =	stileid.u32  }
0x153: {  	s1 =	rddreg [dreg:$0x1];
	p0 =	sne.s32 s2, $0x0  }
0x154: {  	s3 =	rddreg [dreg:$0x2];
	[bflag:$0x3] =	sbarrier.arrive $0xFFFF;
	s2 =	simm.s32 @!p0 $0x1C09  }
0x155: {  	[timem:s3], [sflag:s2] =	dma.local @!p0 [hbm:s0], s1  }
0x156: {  	s0 =	simm.s32 @!p0 $0x9  }
0x157: {  	_ =	swait.ge @!p0 [sflag:s0], s1  }
0x158: {  	s1 =	ssub.s32 @!p0 $0x0, s1;
	[sflag:s0] =	ssyncset.done @!p0 $0x0  }
0x159: {  	[sflag:s0] =	ssyncadd.s32 @!p0 s1  }
0x15a: {  	[bflag:$0x3] =	sbarrier.arrive $0xFFFF  }
0x15b: {  	_ =	shalt  }

</sc_bundles>
